<compile_context>
chip_gen: v7x
topology: tpu7x:2x2x1
jax: 0.10.2.dev20260603
libtpu: 0.0.44.dev20260713+nightly
codegen_flags: <defaults>
</compile_context>

<pallas_src>
import dataclasses
import functools

import jax
import jax.numpy as jnp
from jax import lax
from jax.experimental import pallas as pl
from jax.experimental.pallas import tpu as pltpu
from jax.experimental.pallas import tpu_sc as plsc

_NC = 2
_NS = 16
_NT = _NC * _NS
_CB = 128
_IB = 40



def _core_offsets(cid, sid, nb0, nb1):
    CH0, CH1 = nb0 * _IB, nb1 * _IB
    if nb0 == nb1:
        return (cid * _NS + sid) * CH0, nb0
    nb = jnp.where(cid == 0, nb0, nb1)
    start = jnp.where(cid == 0, sid * CH0, _NS * CH0 + sid * CH1)
    return start, nb


def _make_deg_kernel(NP, nb0, nb1):
    mesh = plsc.VectorSubcoreMesh(core_axis_name="c", subcore_axis_name="s")
    SEG = NP // _NS

    @functools.partial(
        pl.kernel, mesh=mesh,
        out_type=jax.ShapeDtypeStruct((_NC, NP), jnp.float32),
        scratch_types=[
            pltpu.VMEM((_IB, _CB), jnp.int32),
            pltpu.VMEM((NP,), jnp.float32),
            pltpu.VMEM((SEG,), jnp.float32),
            pltpu.VMEM((SEG,), jnp.float32),
            pltpu.VMEM_SHARED((_NS, NP), jnp.float32),
        ],
        compiler_params=dataclasses.replace(pltpu.CompilerParams(),
                                            needs_layout_passes=False),
    )
    def deg_kernel(dst_hbm, out_hbm, dst_v, hist_v, tmp_v, red_v, shared):
        cid = lax.axis_index("c")
        sid = lax.axis_index("s")
        start, nb = _core_offsets(cid, sid, nb0, nb1)
        zeros = jnp.zeros((16,), jnp.float32)
        ones = jnp.ones((16,), jnp.float32)

        @pl.loop(0, NP // 16)
        def _(i):
            hist_v[pl.ds(i * 16, 16)] = zeros

        @pl.loop(0, nb)
        def _(b):
            off = pl.multiple_of(start + b * _IB, 8)
            pltpu.sync_copy(dst_hbm.at[pl.ds(off, _IB)], dst_v)

            @pl.loop(0, _IB)
            def _(j):
                @pl.loop(0, _CB // 16)
                def _(l):
                    idx = dst_v[j, pl.ds(l * 16, 16)]
                    plsc.addupdate_scatter(hist_v, [idx], ones)

        pltpu.sync_copy(hist_v, shared.at[sid])
        plsc.subcore_barrier()

        @pl.loop(0, SEG // 16)
        def _(i):
            red_v[pl.ds(i * 16, 16)] = zeros

        @pl.loop(0, _NS)
        def _(k):
            pltpu.sync_copy(shared.at[k].at[pl.ds(sid * SEG, SEG)], tmp_v)

            @pl.loop(0, SEG // 16)
            def _(i):
                sl = pl.ds(i * 16, 16)
                red_v[sl] = red_v[sl] + tmp_v[sl]

        pltpu.sync_copy(red_v, out_hbm.at[cid].at[pl.ds(sid * SEG, SEG)])

    return deg_kernel


def _make_agg_kernel(NP, nb0, nb1, D):
    mesh = plsc.VectorSubcoreMesh(core_axis_name="c", subcore_axis_name="s")
    zrows = NP // _NS

    @functools.partial(
        pl.kernel, mesh=mesh,
        out_type=jax.ShapeDtypeStruct((_NC, NP, D), jnp.float32),
        scratch_types=[
            pltpu.VMEM((_IB, _CB), jnp.int32),
            pltpu.VMEM((_IB, _CB), jnp.int32),
            pltpu.VMEM((_CB, D), jnp.float32),
            pltpu.VMEM((_CB, D), jnp.float32),
            pltpu.VMEM_SHARED((NP, D), jnp.float32),
            pltpu.SemaphoreType.DMA,
            pltpu.SemaphoreType.DMA,
        ],
    )
    def agg_kernel(hs_hbm, src_hbm, dst_hbm, zeros_hbm, out_hbm,
                   src_v, dst_v, rows0, rows1, acc, sem0, sem1):
        cid = lax.axis_index("c")
        sid = lax.axis_index("s")
        start, nb = _core_offsets(cid, sid, nb0, nb1)
        pltpu.sync_copy(zeros_hbm, acc.at[pl.ds(sid * zrows, zrows)])
        plsc.subcore_barrier()

        @pl.loop(0, nb)
        def _(b):
            off = pl.multiple_of(start + b * _IB, 8)
            pltpu.sync_copy(src_hbm.at[pl.ds(off, _IB)], src_v)
            pltpu.sync_copy(dst_hbm.at[pl.ds(off, _IB)], dst_v)
            pltpu.async_copy(hs_hbm.at[src_v.at[0]], rows0, sem0)

            @pl.loop(0, _IB // 2 - 1)
            def _(i):
                j0 = 2 * i
                pltpu.async_copy(hs_hbm.at[src_v.at[j0 + 1]], rows1, sem1)
                pltpu.make_async_copy(hs_hbm.at[src_v.at[j0]], rows0, sem0).wait()
                pltpu.sync_copy(rows0, acc.at[dst_v.at[j0]], add=True)
                pltpu.async_copy(hs_hbm.at[src_v.at[j0 + 2]], rows0, sem0)
                pltpu.make_async_copy(hs_hbm.at[src_v.at[j0 + 1]], rows1, sem1).wait()
                pltpu.sync_copy(rows1, acc.at[dst_v.at[j0 + 1]], add=True)

            pltpu.async_copy(hs_hbm.at[src_v.at[_IB - 1]], rows1, sem1)
            pltpu.make_async_copy(hs_hbm.at[src_v.at[_IB - 2]], rows0, sem0).wait()
            pltpu.sync_copy(rows0, acc.at[dst_v.at[_IB - 2]], add=True)
            pltpu.make_async_copy(hs_hbm.at[src_v.at[_IB - 1]], rows1, sem1).wait()
            pltpu.sync_copy(rows1, acc.at[dst_v.at[_IB - 1]], add=True)

        plsc.subcore_barrier()
        pltpu.sync_copy(acc.at[pl.ds(sid * zrows, zrows)],
                        out_hbm.at[cid].at[pl.ds(sid * zrows, zrows)])

    return agg_kernel



def _mm1_body(x_ref, w_ref, h_ref):
    h_ref[...] = jnp.dot(x_ref[...], w_ref[...],
                         preferred_element_type=jnp.float32)


def _scale_body(c_ref, h_ref, hs_ref, dis_ref):
    c = c_ref[0] + c_ref[1]
    dis = lax.rsqrt(1.0 + c)
    h = h_ref[...]
    hs_ref[...] = h * dis
    dis_ref[...] = jnp.broadcast_to(dis, h.shape)


def _layer_body(agg_ref, hs_ref, dis_ref, b_ref, w_ref, out_ref):
    dis = dis_ref[...]
    s = agg_ref[0] + agg_ref[1] + hs_ref[...]
    t = jnp.maximum(s * dis + b_ref[...], 0.0)
    out_ref[...] = jnp.dot(t, w_ref[...],
                           preferred_element_type=jnp.float32) * dis


def _final_body(agg_ref, hs_ref, dis_ref, b_ref, wfc_ref, bfc_ref, out_ref):
    s = agg_ref[0] + agg_ref[1] + hs_ref[...]
    t = jnp.maximum(s * dis_ref[...] + b_ref[...], 0.0)
    out_ref[...] = jnp.dot(t, wfc_ref[...],
                           preferred_element_type=jnp.float32) + bfc_ref[...]


def _tc_call(body, NP, D, BN, n_out, in_specs):
    return pl.pallas_call(
        body,
        grid=(NP // BN,),
        in_specs=in_specs,
        out_specs=[pl.BlockSpec((BN, D), lambda i: (i, 0))
                   for _ in range(n_out)],
        out_shape=[jax.ShapeDtypeStruct((NP, D), jnp.float32)
                   for _ in range(n_out)],
    )



def kernel(x, edge_index, W1, b1, W2, b2, Wfc, bfc):
    N, D = x.shape
    E = edge_index.shape[1]
    NP = ((N + 2047) // 2048) * 2048
    TCH = -(-E // (_NS * _CB))
    nbt = -(-TCH // _IB)
    nb0 = nbt - nbt // 2
    nb1 = nbt // 2
    EP = _NS * nbt * _IB * _CB
    BN = 1024

    src = edge_index[0]
    dst = edge_index[1]
    pad = EP - E
    src_p = jnp.concatenate([src, jnp.zeros((pad,), src.dtype)])
    dst_p = jnp.concatenate([dst, jnp.full((pad,), N, dst.dtype)])
    src3 = src_p.reshape(_NS * nbt * _IB, _CB)
    dst3 = dst_p.reshape(_NS * nbt * _IB, _CB)

    zerosD = jnp.zeros((NP // _NS, D), jnp.float32)
    xp = jnp.pad(x, ((0, NP - N), (0, 0)))

    deg_k = _make_deg_kernel(NP, nb0, nb1)
    agg_k = _make_agg_kernel(NP, nb0, nb1, D)

    w_spec = pl.BlockSpec((D, D), lambda i: (0, 0))
    b_spec = pl.BlockSpec((1, D), lambda i: (0, 0))
    row_spec = pl.BlockSpec((BN, D), lambda i: (i, 0))
    agg_spec = pl.BlockSpec((_NC, BN, D), lambda i: (0, i, 0))
    cnt_spec = pl.BlockSpec((_NC, BN, 1), lambda i: (0, i, 0))

    counts = deg_k(dst3).reshape(_NC, NP, 1)
    (h1,) = _tc_call(_mm1_body, NP, D, BN, 1,
                     [row_spec, w_spec])(xp, W1)
    hs1, dis = _tc_call(_scale_body, NP, D, BN, 2,
                        [cnt_spec, row_spec])(counts, h1)
    agg1 = agg_k(hs1, src3, dst3, zerosD)
    (hs2,) = _tc_call(_layer_body, NP, D, BN, 1,
                      [agg_spec, row_spec, row_spec, b_spec, w_spec])(
        agg1, hs1, dis, b1.reshape(1, D), W2)
    agg2 = agg_k(hs2, src3, dst3, zerosD)
    (out,) = _tc_call(_final_body, NP, D, BN, 1,
                      [agg_spec, row_spec, row_spec, b_spec, w_spec, b_spec])(
        agg2, hs2, dis, b2.reshape(1, D), Wfc, bfc.reshape(1, D))
    return out[:N]

# --- scband reference (transcript-rebuilt; emitter-appended) ---
"""Pipeline reference for scband-gcn-74174085202052 (READ-ONLY COPY).

The authoritative reference and input builder live on the scoring server;
editing this copy changes nothing except your own understanding.
"""

import jax, jax.numpy as jnp
import numpy as np

N = 10000
E = 320000
D_IN = 128
D_OUT = 128

def _glorot(key, shape):
    fan_in, fan_out = shape[0], shape[1]
    limit = np.sqrt(6.0 / (fan_in + fan_out))
    return jax.random.uniform(key, shape, dtype=jnp.float32, minval=-limit, maxval=limit)

def setup_inputs(seed: int = 0) -> dict:
    key = jax.random.key(seed)
    ks = jax.random.split(key, 8)
    x = jax.random.normal(ks[0], (N, D_IN), dtype=jnp.float32)
    edge_index = jax.random.randint(ks[1], (2, E), 0, N, dtype=jnp.int32)
    W1 = _glorot(ks[2], (D_IN, D_OUT))
    b1 = jnp.zeros((D_OUT,), dtype=jnp.float32)
    W2 = _glorot(ks[3], (D_OUT, D_OUT))
    b2 = jnp.zeros((D_OUT,), dtype=jnp.float32)
    Wfc = _glorot(ks[4], (D_OUT, D_OUT))
    bfc = jnp.zeros((D_OUT,), dtype=jnp.float32)
    return {"x": x, "edge_index": edge_index, "W1": W1, "b1": b1, "W2": W2, "b2": b2, "Wfc": Wfc, "bfc": bfc}

def _gcn_conv(x, src, dst, norm, W, b):
    h = x @ W
    msg = h[src] * norm[:, None]
    out = jnp.zeros_like(h).at[dst].add(msg)
    return out + b

def reference(x, edge_index, W1, b1, W2, b2, Wfc, bfc):
    n = x.shape[0]
    loop = jnp.arange(n, dtype=edge_index.dtype)
    src = jnp.concatenate([edge_index[0], loop])
    dst = jnp.concatenate([edge_index[1], loop])
    # symmetric normalization with self-loops (PyG GCNConv default)
    deg = jnp.zeros((n,), dtype=x.dtype).at[dst].add(1.0)
    deg_inv_sqrt = jnp.where(deg > 0, deg ** -0.5, 0.0)
    norm = deg_inv_sqrt[src] * deg_inv_sqrt[dst]
    h = _gcn_conv(x, src, dst, norm, W1, b1)
    h = jax.nn.relu(h)
    h = _gcn_conv(h, src, dst, norm, W2, b2)
    h = jax.nn.relu(h)
    return h @ Wfc + bfc

if __name__ == "__main__":
    import jax
    _d = setup_inputs()
    print(jax.jit(kernel)(*tuple(_d.values())))

</pallas_src>

<mosaic_0001>
#map = affine_map<(d0, d1) -> (0, 0)>
#map1 = affine_map<(d0, d1) -> (0, 0, 0)>
module attributes {stable_mosaic.version = 14 : i64} {
  func.func @agg_kernel(%arg0: i32, %arg1: i32, %arg2: memref<10240x128xf32, #tpu.memory_space<hbm>>, %arg3: memref<2560x128xi32, #tpu.memory_space<hbm>>, %arg4: memref<2560x128xi32, #tpu.memory_space<hbm>>, %arg5: memref<640x128xf32, #tpu.memory_space<hbm>>, %arg6: memref<2x10240x128xf32, #tpu.memory_space<hbm>>, %arg7: memref<40x128xi32, #tpu.memory_space<vmem>>, %arg8: memref<40x128xi32, #tpu.memory_space<vmem>>, %arg9: memref<128x128xf32, #tpu.memory_space<vmem>>, %arg10: memref<128x128xf32, #tpu.memory_space<vmem>>, %arg11: memref<10240x128xf32, #tpu.memory_space<vmem_shared>>, %arg12: memref<!tpu.dma_semaphore, #tpu.memory_space<semaphore_mem>>, %arg13: memref<!tpu.dma_semaphore, #tpu.memory_space<semaphore_mem>>) attributes {dimension_semantics = [#tpu.dimension_semantics<core_parallel>, #tpu.dimension_semantics<subcore_parallel>], iteration_bounds = array<i64: 2, 16>, scalar_prefetch = 0 : i64, scratch_operands = 7 : i64, tpu.core_type = #tpu.core_type<sc_vector_subcore>, window_params = [{transform_indices = #map}, {transform_indices = #map}, {transform_indices = #map}, {transform_indices = #map}, {transform_indices = #map1}]} {
    %mul3A = arith.constant 16 : i32
    %mul3A_0 = arith.muli %arg0, %mul3A : i32
    %add3A = arith.addi %mul3A_0, %arg1 : i32
    %mul3A_1 = arith.constant 80 : i32
    %mul3A_2 = arith.muli %add3A, %mul3A_1 : i32
    %mul3A_3 = arith.constant 640 : i32
    %mul3A_4 = arith.muli %arg1, %mul3A_3 : i32
    "tpu.region"() ({
      %run_scoped3A = tpu.sem_alloc : memref<!tpu.dma_semaphore, #tpu.memory_space<semaphore_mem>>
      %dma_start3A = arith.constant 0 : i32
      %dma_start3A_14 = tpu.memref_slice %arg11[%mul3A_4, %dma_start3A] : memref<10240x128xf32, #tpu.memory_space<vmem_shared>> -> memref<640x128xf32, #tpu.memory_space<vmem_shared>>
      tpu.enqueue_dma source(%arg5 : memref<640x128xf32, #tpu.memory_space<hbm>>) target(%dma_start3A_14 : memref<640x128xf32, #tpu.memory_space<vmem_shared>>) target_semaphore(%run_scoped3A : memref<!tpu.dma_semaphore, #tpu.memory_space<semaphore_mem>>)
      %dma_wait3A = arith.constant 0 : i32
      %dma_wait3A_15 = tpu.memref_slice %arg11[%mul3A_4, %dma_wait3A] : memref<10240x128xf32, #tpu.memory_space<vmem_shared>> -> memref<640x128xf32, #tpu.memory_space<vmem_shared>>
      tpu.wait_dma2 semaphore(%run_scoped3A : memref<!tpu.dma_semaphore, #tpu.memory_space<semaphore_mem>>) src(%arg5 : memref<640x128xf32, #tpu.memory_space<hbm>>) dst(%dma_wait3A_15 : memref<640x128xf32, #tpu.memory_space<vmem_shared>>)
      tpu.yield
    }) : () -> ()
    %barrier3A = arith.constant 0 : index
    tpu.barrier barrier_id(%barrier3A)
    %scan3A = arith.constant 0 : i32
    %scan3A_5 = arith.constant 2 : i32
    %scan3A_6 = arith.addi %scan3A, %scan3A_5 : i32
    %scan3A_7 = arith.constant 1 : i32
    scf.for %scan3A_14 = %scan3A to %scan3A_6 step %scan3A_7  : i32 {
      %mul3A_15 = arith.constant 1 : i32
      %mul3A_16 = arith.muli %scan3A_14, %mul3A_15 : i32
      %add3A_17 = arith.constant 0 : i32
      %add3A_18 = arith.addi %add3A_17, %mul3A_16 : i32
      %mul3A_19 = arith.constant 40 : i32
      %mul3A_20 = arith.muli %add3A_18, %mul3A_19 : i32
      %add3A_21 = arith.addi %mul3A_2, %mul3A_20 : i32
      %multiple_of3A = tpu.assume_multiple %add3A_21, 8 : i32
      "tpu.region"() ({
        %run_scoped3A_54 = tpu.sem_alloc : memref<!tpu.dma_semaphore, #tpu.memory_space<semaphore_mem>>
        %dma_start3A_55 = arith.constant 0 : i32
        %dma_start3A_56 = tpu.memref_slice %arg3[%multiple_of3A, %dma_start3A_55] : memref<2560x128xi32, #tpu.memory_space<hbm>> -> memref<40x128xi32, #tpu.memory_space<hbm>>
        %dma_start3A_57 = arith.constant 0 : i32
        %dma_start3A_58 = tpu.memref_slice %arg3[%multiple_of3A, %dma_start3A_57] : memref<2560x128xi32, #tpu.memory_space<hbm>> -> memref<40x128xi32, #tpu.memory_space<hbm>>
        tpu.enqueue_dma source(%dma_start3A_58 : memref<40x128xi32, #tpu.memory_space<hbm>>) target(%arg7 : memref<40x128xi32, #tpu.memory_space<vmem>>) target_semaphore(%run_scoped3A_54 : memref<!tpu.dma_semaphore, #tpu.memory_space<semaphore_mem>>)
        %dma_wait3A_59 = arith.constant 0 : i32
        %dma_wait3A_60 = tpu.memref_slice %arg3[%multiple_of3A, %dma_wait3A_59] : memref<2560x128xi32, #tpu.memory_space<hbm>> -> memref<40x128xi32, #tpu.memory_space<hbm>>
        %dma_wait3A_61 = arith.constant 0 : i32
        %dma_wait3A_62 = tpu.memref_slice %arg3[%multiple_of3A, %dma_wait3A_61] : memref<2560x128xi32, #tpu.memory_space<hbm>> -> memref<40x128xi32, #tpu.memory_space<hbm>>
        tpu.wait_dma2 semaphore(%run_scoped3A_54 : memref<!tpu.dma_semaphore, #tpu.memory_space<semaphore_mem>>) src(%dma_wait3A_62 : memref<40x128xi32, #tpu.memory_space<hbm>>) dst(%arg7 : memref<40x128xi32, #tpu.memory_space<vmem>>)
        tpu.yield
      }) : () -> ()
      "tpu.region"() ({
        %run_scoped3A_54 = tpu.sem_alloc : memref<!tpu.dma_semaphore, #tpu.memory_space<semaphore_mem>>
        %dma_start3A_55 = arith.constant 0 : i32
        %dma_start3A_56 = tpu.memref_slice %arg4[%multiple_of3A, %dma_start3A_55] : memref<2560x128xi32, #tpu.memory_space<hbm>> -> memref<40x128xi32, #tpu.memory_space<hbm>>
        %dma_start3A_57 = arith.constant 0 : i32
        %dma_start3A_58 = tpu.memref_slice %arg4[%multiple_of3A, %dma_start3A_57] : memref<2560x128xi32, #tpu.memory_space<hbm>> -> memref<40x128xi32, #tpu.memory_space<hbm>>
        tpu.enqueue_dma source(%dma_start3A_58 : memref<40x128xi32, #tpu.memory_space<hbm>>) target(%arg8 : memref<40x128xi32, #tpu.memory_space<vmem>>) target_semaphore(%run_scoped3A_54 : memref<!tpu.dma_semaphore, #tpu.memory_space<semaphore_mem>>)
        %dma_wait3A_59 = arith.constant 0 : i32
        %dma_wait3A_60 = tpu.memref_slice %arg4[%multiple_of3A, %dma_wait3A_59] : memref<2560x128xi32, #tpu.memory_space<hbm>> -> memref<40x128xi32, #tpu.memory_space<hbm>>
        %dma_wait3A_61 = arith.constant 0 : i32
        %dma_wait3A_62 = tpu.memref_slice %arg4[%multiple_of3A, %dma_wait3A_61] : memref<2560x128xi32, #tpu.memory_space<hbm>> -> memref<40x128xi32, #tpu.memory_space<hbm>>
        tpu.wait_dma2 semaphore(%run_scoped3A_54 : memref<!tpu.dma_semaphore, #tpu.memory_space<semaphore_mem>>) src(%dma_wait3A_62 : memref<40x128xi32, #tpu.memory_space<hbm>>) dst(%arg8 : memref<40x128xi32, #tpu.memory_space<vmem>>)
        tpu.yield
      }) : () -> ()
      %dma_start3A = arith.constant 0 : i32
      %dma_start3A_22 = arith.constant 0 : i32
      %dma_start3A_23 = tpu.memref_slice %arg7[%dma_start3A, %dma_start3A_22] : memref<40x128xi32, #tpu.memory_space<vmem>> -> memref<1x128xi32, #tpu.memory_space<vmem>>
      %dma_start3A_24 = tpu.memref_squeeze %dma_start3A_23 : memref<1x128xi32, #tpu.memory_space<vmem>> -> memref<128xi32, #tpu.memory_space<vmem>>
      %dma_start3A_25 = arith.constant 0 : i32
      %dma_start3A_26 = arith.constant 0 : i32
      %dma_start3A_27 = tpu.memref_slice %arg2[%dma_start3A_25, %dma_start3A_26] : memref<10240x128xf32, #tpu.memory_space<hbm>> -> memref<10240x128xf32, #tpu.memory_space<hbm>>
      tpu.enqueue_indirect_dma source(%dma_start3A_27 : memref<10240x128xf32, #tpu.memory_space<hbm>>) target(%arg9 : memref<128x128xf32, #tpu.memory_space<vmem>>) offsets(%dma_start3A_24 : memref<128xi32, #tpu.memory_space<vmem>>) semaphore(%arg12 : memref<!tpu.dma_semaphore, #tpu.memory_space<semaphore_mem>>)
      %scan3A_28 = arith.constant 0 : i32
      %scan3A_29 = arith.constant 19 : i32
      %scan3A_30 = arith.addi %scan3A_28, %scan3A_29 : i32
      %scan3A_31 = arith.constant 1 : i32
      scf.for %scan3A_54 = %scan3A_28 to %scan3A_30 step %scan3A_31  : i32 {
        %mul3A_55 = arith.constant 1 : i32
        %mul3A_56 = arith.muli %scan3A_54, %mul3A_55 : i32
        %add3A_57 = arith.constant 0 : i32
        %add3A_58 = arith.addi %add3A_57, %mul3A_56 : i32
        %mul3A_59 = arith.constant 2 : i32
        %mul3A_60 = arith.muli %mul3A_59, %add3A_58 : i32
        %add3A_61 = arith.constant 1 : i32
        %add3A_62 = arith.addi %mul3A_60, %add3A_61 : i32
        %dma_start3A_63 = arith.constant 0 : i32
        %dma_start3A_64 = tpu.memref_slice %arg7[%add3A_62, %dma_start3A_63] : memref<40x128xi32, #tpu.memory_space<vmem>> -> memref<1x128xi32, #tpu.memory_space<vmem>>
        %dma_start3A_65 = tpu.memref_squeeze %dma_start3A_64 : memref<1x128xi32, #tpu.memory_space<vmem>> -> memref<128xi32, #tpu.memory_space<vmem>>
        %dma_start3A_66 = arith.constant 0 : i32
        %dma_start3A_67 = arith.constant 0 : i32
        %dma_start3A_68 = tpu.memref_slice %arg2[%dma_start3A_66, %dma_start3A_67] : memref<10240x128xf32, #tpu.memory_space<hbm>> -> memref<10240x128xf32, #tpu.memory_space<hbm>>
        tpu.enqueue_indirect_dma source(%dma_start3A_68 : memref<10240x128xf32, #tpu.memory_space<hbm>>) target(%arg10 : memref<128x128xf32, #tpu.memory_space<vmem>>) offsets(%dma_start3A_65 : memref<128xi32, #tpu.memory_space<vmem>>) semaphore(%arg13 : memref<!tpu.dma_semaphore, #tpu.memory_space<semaphore_mem>>)
        %dma_wait3A_69 = arith.constant 0 : i32
        %dma_wait3A_70 = tpu.memref_slice %arg7[%mul3A_60, %dma_wait3A_69] : memref<40x128xi32, #tpu.memory_space<vmem>> -> memref<1x128xi32, #tpu.memory_space<vmem>>
        %dma_wait3A_71 = tpu.memref_squeeze %dma_wait3A_70 : memref<1x128xi32, #tpu.memory_space<vmem>> -> memref<128xi32, #tpu.memory_space<vmem>>
        %dma_wait3A_72 = arith.constant 0 : i32
        %dma_wait3A_73 = arith.constant 0 : i32
        %dma_wait3A_74 = tpu.memref_slice %arg2[%dma_wait3A_72, %dma_wait3A_73] : memref<10240x128xf32, #tpu.memory_space<hbm>> -> memref<10240x128xf32, #tpu.memory_space<hbm>>
        tpu.wait_indirect_dma semaphore(%arg12 : memref<!tpu.dma_semaphore, #tpu.memory_space<semaphore_mem>>) src(%dma_wait3A_74 : memref<10240x128xf32, #tpu.memory_space<hbm>>) dst(%arg9 : memref<128x128xf32, #tpu.memory_space<vmem>>)
        "tpu.region"() ({
          %run_scoped3A_93 = tpu.sem_alloc : memref<!tpu.dma_semaphore, #tpu.memory_space<semaphore_mem>>
          %dma_start3A_94 = arith.constant 0 : i32
          %dma_start3A_95 = tpu.memref_slice %arg8[%mul3A_60, %dma_start3A_94] : memref<40x128xi32, #tpu.memory_space<vmem>> -> memref<1x128xi32, #tpu.memory_space<vmem>>
          %dma_start3A_96 = tpu.memref_squeeze %dma_start3A_95 : memref<1x128xi32, #tpu.memory_space<vmem>> -> memref<128xi32, #tpu.memory_space<vmem>>
          %dma_start3A_97 = arith.constant 0 : i32
          %dma_start3A_98 = arith.constant 0 : i32
          %dma_start3A_99 = tpu.memref_slice %arg11[%dma_start3A_97, %dma_start3A_98] : memref<10240x128xf32, #tpu.memory_space<vmem_shared>> -> memref<10240x128xf32, #tpu.memory_space<vmem_shared>>
          tpu.enqueue_indirect_dma source(%arg9 : memref<128x128xf32, #tpu.memory_space<vmem>>) target(%dma_start3A_99 : memref<10240x128xf32, #tpu.memory_space<vmem_shared>>) offsets(%dma_start3A_96 : memref<128xi32, #tpu.memory_space<vmem>>) semaphore(%run_scoped3A_93 : memref<!tpu.dma_semaphore, #tpu.memory_space<semaphore_mem>>) {add = true}
          %dma_wait3A_100 = arith.constant 0 : i32
          %dma_wait3A_101 = tpu.memref_slice %arg8[%mul3A_60, %dma_wait3A_100] : memref<40x128xi32, #tpu.memory_space<vmem>> -> memref<1x128xi32, #tpu.memory_space<vmem>>
          %dma_wait3A_102 = tpu.memref_squeeze %dma_wait3A_101 : memref<1x128xi32, #tpu.memory_space<vmem>> -> memref<128xi32, #tpu.memory_space<vmem>>
          %dma_wait3A_103 = arith.constant 0 : i32
          %dma_wait3A_104 = arith.constant 0 : i32
          %dma_wait3A_105 = tpu.memref_slice %arg11[%dma_wait3A_103, %dma_wait3A_104] : memref<10240x128xf32, #tpu.memory_space<vmem_shared>> -> memref<10240x128xf32, #tpu.memory_space<vmem_shared>>
          tpu.wait_indirect_dma semaphore(%run_scoped3A_93 : memref<!tpu.dma_semaphore, #tpu.memory_space<semaphore_mem>>) src(%arg9 : memref<128x128xf32, #tpu.memory_space<vmem>>) dst(%dma_wait3A_105 : memref<10240x128xf32, #tpu.memory_space<vmem_shared>>)
          tpu.yield
        }) : () -> ()
        %add3A_75 = arith.constant 2 : i32
        %add3A_76 = arith.addi %mul3A_60, %add3A_75 : i32
        %dma_start3A_77 = arith.constant 0 : i32
        %dma_start3A_78 = tpu.memref_slice %arg7[%add3A_76, %dma_start3A_77] : memref<40x128xi32, #tpu.memory_space<vmem>> -> memref<1x128xi32, #tpu.memory_space<vmem>>
        %dma_start3A_79 = tpu.memref_squeeze %dma_start3A_78 : memref<1x128xi32, #tpu.memory_space<vmem>> -> memref<128xi32, #tpu.memory_space<vmem>>
        %dma_start3A_80 = arith.constant 0 : i32
        %dma_start3A_81 = arith.constant 0 : i32
        %dma_start3A_82 = tpu.memref_slice %arg2[%dma_start3A_80, %dma_start3A_81] : memref<10240x128xf32, #tpu.memory_space<hbm>> -> memref<10240x128xf32, #tpu.memory_space<hbm>>
        tpu.enqueue_indirect_dma source(%dma_start3A_82 : memref<10240x128xf32, #tpu.memory_space<hbm>>) target(%arg9 : memref<128x128xf32, #tpu.memory_space<vmem>>) offsets(%dma_start3A_79 : memref<128xi32, #tpu.memory_space<vmem>>) semaphore(%arg12 : memref<!tpu.dma_semaphore, #tpu.memory_space<semaphore_mem>>)
        %add3A_83 = arith.constant 1 : i32
        %add3A_84 = arith.addi %mul3A_60, %add3A_83 : i32
        %dma_wait3A_85 = arith.constant 0 : i32
        %dma_wait3A_86 = tpu.memref_slice %arg7[%add3A_84, %dma_wait3A_85] : memref<40x128xi32, #tpu.memory_space<vmem>> -> memref<1x128xi32, #tpu.memory_space<vmem>>
        %dma_wait3A_87 = tpu.memref_squeeze %dma_wait3A_86 : memref<1x128xi32, #tpu.memory_space<vmem>> -> memref<128xi32, #tpu.memory_space<vmem>>
        %dma_wait3A_88 = arith.constant 0 : i32
        %dma_wait3A_89 = arith.constant 0 : i32
        %dma_wait3A_90 = tpu.memref_slice %arg2[%dma_wait3A_88, %dma_wait3A_89] : memref<10240x128xf32, #tpu.memory_space<hbm>> -> memref<10240x128xf32, #tpu.memory_space<hbm>>
        tpu.wait_indirect_dma semaphore(%arg13 : memref<!tpu.dma_semaphore, #tpu.memory_space<semaphore_mem>>) src(%dma_wait3A_90 : memref<10240x128xf32, #tpu.memory_space<hbm>>) dst(%arg10 : memref<128x128xf32, #tpu.memory_space<vmem>>)
        %add3A_91 = arith.constant 1 : i32
        %add3A_92 = arith.addi %mul3A_60, %add3A_91 : i32
        "tpu.region"() ({
          %run_scoped3A_93 = tpu.sem_alloc : memref<!tpu.dma_semaphore, #tpu.memory_space<semaphore_mem>>
          %dma_start3A_94 = arith.constant 0 : i32
          %dma_start3A_95 = tpu.memref_slice %arg8[%add3A_92, %dma_start3A_94] : memref<40x128xi32, #tpu.memory_space<vmem>> -> memref<1x128xi32, #tpu.memory_space<vmem>>
          %dma_start3A_96 = tpu.memref_squeeze %dma_start3A_95 : memref<1x128xi32, #tpu.memory_space<vmem>> -> memref<128xi32, #tpu.memory_space<vmem>>
          %dma_start3A_97 = arith.constant 0 : i32
          %dma_start3A_98 = arith.constant 0 : i32
          %dma_start3A_99 = tpu.memref_slice %arg11[%dma_start3A_97, %dma_start3A_98] : memref<10240x128xf32, #tpu.memory_space<vmem_shared>> -> memref<10240x128xf32, #tpu.memory_space<vmem_shared>>
          tpu.enqueue_indirect_dma source(%arg10 : memref<128x128xf32, #tpu.memory_space<vmem>>) target(%dma_start3A_99 : memref<10240x128xf32, #tpu.memory_space<vmem_shared>>) offsets(%dma_start3A_96 : memref<128xi32, #tpu.memory_space<vmem>>) semaphore(%run_scoped3A_93 : memref<!tpu.dma_semaphore, #tpu.memory_space<semaphore_mem>>) {add = true}
          %dma_wait3A_100 = arith.constant 0 : i32
          %dma_wait3A_101 = tpu.memref_slice %arg8[%add3A_92, %dma_wait3A_100] : memref<40x128xi32, #tpu.memory_space<vmem>> -> memref<1x128xi32, #tpu.memory_space<vmem>>
          %dma_wait3A_102 = tpu.memref_squeeze %dma_wait3A_101 : memref<1x128xi32, #tpu.memory_space<vmem>> -> memref<128xi32, #tpu.memory_space<vmem>>
          %dma_wait3A_103 = arith.constant 0 : i32
          %dma_wait3A_104 = arith.constant 0 : i32
          %dma_wait3A_105 = tpu.memref_slice %arg11[%dma_wait3A_103, %dma_wait3A_104] : memref<10240x128xf32, #tpu.memory_space<vmem_shared>> -> memref<10240x128xf32, #tpu.memory_space<vmem_shared>>
          tpu.wait_indirect_dma semaphore(%run_scoped3A_93 : memref<!tpu.dma_semaphore, #tpu.memory_space<semaphore_mem>>) src(%arg10 : memref<128x128xf32, #tpu.memory_space<vmem>>) dst(%dma_wait3A_105 : memref<10240x128xf32, #tpu.memory_space<vmem_shared>>)
          tpu.yield
        }) : () -> ()
      }
      %scan3A_32 = arith.constant 19 : i32
      %dma_start3A_33 = arith.constant 39 : i32
      %dma_start3A_34 = arith.constant 0 : i32
      %dma_start3A_35 = tpu.memref_slice %arg7[%dma_start3A_33, %dma_start3A_34] : memref<40x128xi32, #tpu.memory_space<vmem>> -> memref<1x128xi32, #tpu.memory_space<vmem>>
      %dma_start3A_36 = tpu.memref_squeeze %dma_start3A_35 : memref<1x128xi32, #tpu.memory_space<vmem>> -> memref<128xi32, #tpu.memory_space<vmem>>
      %dma_start3A_37 = arith.constant 0 : i32
      %dma_start3A_38 = arith.constant 0 : i32
      %dma_start3A_39 = tpu.memref_slice %arg2[%dma_start3A_37, %dma_start3A_38] : memref<10240x128xf32, #tpu.memory_space<hbm>> -> memref<10240x128xf32, #tpu.memory_space<hbm>>
      tpu.enqueue_indirect_dma source(%dma_start3A_39 : memref<10240x128xf32, #tpu.memory_space<hbm>>) target(%arg10 : memref<128x128xf32, #tpu.memory_space<vmem>>) offsets(%dma_start3A_36 : memref<128xi32, #tpu.memory_space<vmem>>) semaphore(%arg13 : memref<!tpu.dma_semaphore, #tpu.memory_space<semaphore_mem>>)
      %dma_wait3A = arith.constant 38 : i32
      %dma_wait3A_40 = arith.constant 0 : i32
      %dma_wait3A_41 = tpu.memref_slice %arg7[%dma_wait3A, %dma_wait3A_40] : memref<40x128xi32, #tpu.memory_space<vmem>> -> memref<1x128xi32, #tpu.memory_space<vmem>>
      %dma_wait3A_42 = tpu.memref_squeeze %dma_wait3A_41 : memref<1x128xi32, #tpu.memory_space<vmem>> -> memref<128xi32, #tpu.memory_space<vmem>>
      %dma_wait3A_43 = arith.constant 0 : i32
      %dma_wait3A_44 = arith.constant 0 : i32
      %dma_wait3A_45 = tpu.memref_slice %arg2[%dma_wait3A_43, %dma_wait3A_44] : memref<10240x128xf32, #tpu.memory_space<hbm>> -> memref<10240x128xf32, #tpu.memory_space<hbm>>
      tpu.wait_indirect_dma semaphore(%arg12 : memref<!tpu.dma_semaphore, #tpu.memory_space<semaphore_mem>>) src(%dma_wait3A_45 : memref<10240x128xf32, #tpu.memory_space<hbm>>) dst(%arg9 : memref<128x128xf32, #tpu.memory_space<vmem>>)
      %run_scoped3A = arith.constant 38 : i32
      "tpu.region"() ({
        %run_scoped3A_54 = tpu.sem_alloc : memref<!tpu.dma_semaphore, #tpu.memory_space<semaphore_mem>>
        %dma_start3A_55 = arith.constant 0 : i32
        %dma_start3A_56 = tpu.memref_slice %arg8[%run_scoped3A, %dma_start3A_55] : memref<40x128xi32, #tpu.memory_space<vmem>> -> memref<1x128xi32, #tpu.memory_space<vmem>>
        %dma_start3A_57 = tpu.memref_squeeze %dma_start3A_56 : memref<1x128xi32, #tpu.memory_space<vmem>> -> memref<128xi32, #tpu.memory_space<vmem>>
        %dma_start3A_58 = arith.constant 0 : i32
        %dma_start3A_59 = arith.constant 0 : i32
        %dma_start3A_60 = tpu.memref_slice %arg11[%dma_start3A_58, %dma_start3A_59] : memref<10240x128xf32, #tpu.memory_space<vmem_shared>> -> memref<10240x128xf32, #tpu.memory_space<vmem_shared>>
        tpu.enqueue_indirect_dma source(%arg9 : memref<128x128xf32, #tpu.memory_space<vmem>>) target(%dma_start3A_60 : memref<10240x128xf32, #tpu.memory_space<vmem_shared>>) offsets(%dma_start3A_57 : memref<128xi32, #tpu.memory_space<vmem>>) semaphore(%run_scoped3A_54 : memref<!tpu.dma_semaphore, #tpu.memory_space<semaphore_mem>>) {add = true}
        %dma_wait3A_61 = arith.constant 0 : i32
        %dma_wait3A_62 = tpu.memref_slice %arg8[%run_scoped3A, %dma_wait3A_61] : memref<40x128xi32, #tpu.memory_space<vmem>> -> memref<1x128xi32, #tpu.memory_space<vmem>>
        %dma_wait3A_63 = tpu.memref_squeeze %dma_wait3A_62 : memref<1x128xi32, #tpu.memory_space<vmem>> -> memref<128xi32, #tpu.memory_space<vmem>>
        %dma_wait3A_64 = arith.constant 0 : i32
        %dma_wait3A_65 = arith.constant 0 : i32
        %dma_wait3A_66 = tpu.memref_slice %arg11[%dma_wait3A_64, %dma_wait3A_65] : memref<10240x128xf32, #tpu.memory_space<vmem_shared>> -> memref<10240x128xf32, #tpu.memory_space<vmem_shared>>
        tpu.wait_indirect_dma semaphore(%run_scoped3A_54 : memref<!tpu.dma_semaphore, #tpu.memory_space<semaphore_mem>>) src(%arg9 : memref<128x128xf32, #tpu.memory_space<vmem>>) dst(%dma_wait3A_66 : memref<10240x128xf32, #tpu.memory_space<vmem_shared>>)
        tpu.yield
      }) : () -> ()
      %dma_wait3A_46 = arith.constant 39 : i32
      %dma_wait3A_47 = arith.constant 0 : i32
      %dma_wait3A_48 = tpu.memref_slice %arg7[%dma_wait3A_46, %dma_wait3A_47] : memref<40x128xi32, #tpu.memory_space<vmem>> -> memref<1x128xi32, #tpu.memory_space<vmem>>
      %dma_wait3A_49 = tpu.memref_squeeze %dma_wait3A_48 : memref<1x128xi32, #tpu.memory_space<vmem>> -> memref<128xi32, #tpu.memory_space<vmem>>
      %dma_wait3A_50 = arith.constant 0 : i32
      %dma_wait3A_51 = arith.constant 0 : i32
      %dma_wait3A_52 = tpu.memref_slice %arg2[%dma_wait3A_50, %dma_wait3A_51] : memref<10240x128xf32, #tpu.memory_space<hbm>> -> memref<10240x128xf32, #tpu.memory_space<hbm>>
      tpu.wait_indirect_dma semaphore(%arg13 : memref<!tpu.dma_semaphore, #tpu.memory_space<semaphore_mem>>) src(%dma_wait3A_52 : memref<10240x128xf32, #tpu.memory_space<hbm>>) dst(%arg10 : memref<128x128xf32, #tpu.memory_space<vmem>>)
      %run_scoped3A_53 = arith.constant 39 : i32
      "tpu.region"() ({
        %run_scoped3A_54 = tpu.sem_alloc : memref<!tpu.dma_semaphore, #tpu.memory_space<semaphore_mem>>
        %dma_start3A_55 = arith.constant 0 : i32
        %dma_start3A_56 = tpu.memref_slice %arg8[%run_scoped3A_53, %dma_start3A_55] : memref<40x128xi32, #tpu.memory_space<vmem>> -> memref<1x128xi32, #tpu.memory_space<vmem>>
        %dma_start3A_57 = tpu.memref_squeeze %dma_start3A_56 : memref<1x128xi32, #tpu.memory_space<vmem>> -> memref<128xi32, #tpu.memory_space<vmem>>
        %dma_start3A_58 = arith.constant 0 : i32
        %dma_start3A_59 = arith.constant 0 : i32
        %dma_start3A_60 = tpu.memref_slice %arg11[%dma_start3A_58, %dma_start3A_59] : memref<10240x128xf32, #tpu.memory_space<vmem_shared>> -> memref<10240x128xf32, #tpu.memory_space<vmem_shared>>
        tpu.enqueue_indirect_dma source(%arg10 : memref<128x128xf32, #tpu.memory_space<vmem>>) target(%dma_start3A_60 : memref<10240x128xf32, #tpu.memory_space<vmem_shared>>) offsets(%dma_start3A_57 : memref<128xi32, #tpu.memory_space<vmem>>) semaphore(%run_scoped3A_54 : memref<!tpu.dma_semaphore, #tpu.memory_space<semaphore_mem>>) {add = true}
        %dma_wait3A_61 = arith.constant 0 : i32
        %dma_wait3A_62 = tpu.memref_slice %arg8[%run_scoped3A_53, %dma_wait3A_61] : memref<40x128xi32, #tpu.memory_space<vmem>> -> memref<1x128xi32, #tpu.memory_space<vmem>>
        %dma_wait3A_63 = tpu.memref_squeeze %dma_wait3A_62 : memref<1x128xi32, #tpu.memory_space<vmem>> -> memref<128xi32, #tpu.memory_space<vmem>>
        %dma_wait3A_64 = arith.constant 0 : i32
        %dma_wait3A_65 = arith.constant 0 : i32
        %dma_wait3A_66 = tpu.memref_slice %arg11[%dma_wait3A_64, %dma_wait3A_65] : memref<10240x128xf32, #tpu.memory_space<vmem_shared>> -> memref<10240x128xf32, #tpu.memory_space<vmem_shared>>
        tpu.wait_indirect_dma semaphore(%run_scoped3A_54 : memref<!tpu.dma_semaphore, #tpu.memory_space<semaphore_mem>>) src(%arg10 : memref<128x128xf32, #tpu.memory_space<vmem>>) dst(%dma_wait3A_66 : memref<10240x128xf32, #tpu.memory_space<vmem_shared>>)
        tpu.yield
      }) : () -> ()
    }
    %scan3A_8 = arith.constant 2 : i32
    %barrier3A_9 = arith.constant 0 : index
    tpu.barrier barrier_id(%barrier3A_9)
    %mul3A_10 = arith.constant 640 : i32
    %mul3A_11 = arith.muli %arg1, %mul3A_10 : i32
    %mul3A_12 = arith.constant 640 : i32
    %mul3A_13 = arith.muli %arg1, %mul3A_12 : i32
    "tpu.region"() ({
      %run_scoped3A = tpu.sem_alloc : memref<!tpu.dma_semaphore, #tpu.memory_space<semaphore_mem>>
      %dma_start3A = arith.constant 0 : i32
      %dma_start3A_14 = arith.constant 0 : i32
      %dma_start3A_15 = tpu.memref_slice %arg6[%arg0, %dma_start3A, %dma_start3A_14] : memref<2x10240x128xf32, #tpu.memory_space<hbm>> -> memref<1x10240x128xf32, #tpu.memory_space<hbm>>
      %dma_start3A_16 = tpu.memref_squeeze %dma_start3A_15 : memref<1x10240x128xf32, #tpu.memory_space<hbm>> -> memref<10240x128xf32, #tpu.memory_space<hbm>>
      %dma_start3A_17 = arith.constant 0 : i32
      %dma_start3A_18 = tpu.memref_slice %dma_start3A_16[%mul3A_13, %dma_start3A_17] : memref<10240x128xf32, #tpu.memory_space<hbm>> -> memref<640x128xf32, #tpu.memory_space<hbm>>
      %dma_start3A_19 = arith.constant 0 : i32
      %dma_start3A_20 = tpu.memref_slice %arg11[%mul3A_11, %dma_start3A_19] : memref<10240x128xf32, #tpu.memory_space<vmem_shared>> -> memref<640x128xf32, #tpu.memory_space<vmem_shared>>
      tpu.enqueue_dma source(%dma_start3A_20 : memref<640x128xf32, #tpu.memory_space<vmem_shared>>) target(%dma_start3A_18 : memref<640x128xf32, #tpu.memory_space<hbm>>) target_semaphore(%run_scoped3A : memref<!tpu.dma_semaphore, #tpu.memory_space<semaphore_mem>>)
      %dma_wait3A = arith.constant 0 : i32
      %dma_wait3A_21 = arith.constant 0 : i32
      %dma_wait3A_22 = tpu.memref_slice %arg6[%arg0, %dma_wait3A, %dma_wait3A_21] : memref<2x10240x128xf32, #tpu.memory_space<hbm>> -> memref<1x10240x128xf32, #tpu.memory_space<hbm>>
      %dma_wait3A_23 = tpu.memref_squeeze %dma_wait3A_22 : memref<1x10240x128xf32, #tpu.memory_space<hbm>> -> memref<10240x128xf32, #tpu.memory_space<hbm>>
      %dma_wait3A_24 = arith.constant 0 : i32
      %dma_wait3A_25 = tpu.memref_slice %dma_wait3A_23[%mul3A_13, %dma_wait3A_24] : memref<10240x128xf32, #tpu.memory_space<hbm>> -> memref<640x128xf32, #tpu.memory_space<hbm>>
      %dma_wait3A_26 = arith.constant 0 : i32
      %dma_wait3A_27 = tpu.memref_slice %arg11[%mul3A_11, %dma_wait3A_26] : memref<10240x128xf32, #tpu.memory_space<vmem_shared>> -> memref<640x128xf32, #tpu.memory_space<vmem_shared>>
      tpu.wait_dma2 semaphore(%run_scoped3A : memref<!tpu.dma_semaphore, #tpu.memory_space<semaphore_mem>>) src(%dma_wait3A_27 : memref<640x128xf32, #tpu.memory_space<vmem_shared>>) dst(%dma_wait3A_25 : memref<640x128xf32, #tpu.memory_space<hbm>>)
      tpu.yield
    }) : () -> ()
    return
  }
}

#map = affine_map<(d0, d1) -> (0, 0)>
module attributes {stable_mosaic.version = 14 : i64} {
  func.func @deg_kernel(%arg0: i32, %arg1: i32, %arg2: memref<2560x128xi32, #tpu.memory_space<hbm>>, %arg3: memref<2x10240xf32, #tpu.memory_space<hbm>>, %arg4: memref<40x128xi32, #tpu.memory_space<vmem>>, %arg5: memref<10240xf32, #tpu.memory_space<vmem>>, %arg6: memref<640xf32, #tpu.memory_space<vmem>>, %arg7: memref<640xf32, #tpu.memory_space<vmem>>, %arg8: memref<16x10240xf32, #tpu.memory_space<vmem_shared>>) attributes {dimension_semantics = [#tpu.dimension_semantics<core_parallel>, #tpu.dimension_semantics<subcore_parallel>], iteration_bounds = array<i64: 2, 16>, scalar_prefetch = 0 : i64, scratch_operands = 5 : i64, tpu.core_type = #tpu.core_type<sc_vector_subcore>, window_params = [{transform_indices = #map}, {transform_indices = #map}]} {
    %mul3A = arith.constant 16 : i32
    %mul3A_0 = arith.muli %arg0, %mul3A : i32
    %add3A = arith.addi %mul3A_0, %arg1 : i32
    %mul3A_1 = arith.constant 80 : i32
    %mul3A_2 = arith.muli %add3A, %mul3A_1 : i32
    %broadcast_in_dim3A = arith.constant 0.000000e+00 : f32
    %broadcast_in_dim3A_3 = vector.broadcast %broadcast_in_dim3A : f32 to vector<16xf32>
    %broadcast_in_dim3A_4 = arith.constant 1.000000e+00 : f32
    %broadcast_in_dim3A_5 = vector.broadcast %broadcast_in_dim3A_4 : f32 to vector<16xf32>
    %scan3A = arith.constant 0 : i32
    %scan3A_6 = arith.constant 640 : i32
    %scan3A_7 = arith.addi %scan3A, %scan3A_6 : i32
    %scan3A_8 = arith.constant 1 : i32
    scf.for %scan3A_27 = %scan3A to %scan3A_7 step %scan3A_8  : i32 {
      %mul3A_28 = arith.constant 1 : i32
      %mul3A_29 = arith.muli %scan3A_27, %mul3A_28 : i32
      %add3A_30 = arith.constant 0 : i32
      %add3A_31 = arith.addi %add3A_30, %mul3A_29 : i32
      %mul3A_32 = arith.constant 16 : i32
      %mul3A_33 = arith.muli %add3A_31, %mul3A_32 : i32
      %swap3A = arith.index_cast %mul3A_33 : i32 to index
      %swap3A_34 = tpu.vector_load %arg5[%swap3A] {strides = array<i32>} : memref<10240xf32, #tpu.memory_space<vmem>>, vector<16xf32>,
      tpu.vector_store %arg5[%swap3A], %broadcast_in_dim3A_3 {strides = array<i32>} : memref<10240xf32, #tpu.memory_space<vmem>>, vector<16xf32>,
    }
    %scan3A_9 = arith.constant 640 : i32
    %scan3A_10 = arith.constant 0 : i32
    %scan3A_11 = arith.constant 2 : i32
    %scan3A_12 = arith.addi %scan3A_10, %scan3A_11 : i32
    %scan3A_13 = arith.constant 1 : i32
    scf.for %scan3A_27 = %scan3A_10 to %scan3A_12 step %scan3A_13  : i32 {
      %mul3A_28 = arith.constant 1 : i32
      %mul3A_29 = arith.muli %scan3A_27, %mul3A_28 : i32
      %add3A_30 = arith.constant 0 : i32
      %add3A_31 = arith.addi %add3A_30, %mul3A_29 : i32
      %mul3A_32 = arith.constant 40 : i32
      %mul3A_33 = arith.muli %add3A_31, %mul3A_32 : i32
      %add3A_34 = arith.addi %mul3A_2, %mul3A_33 : i32
      %multiple_of3A = tpu.assume_multiple %add3A_34, 8 : i32
      "tpu.region"() ({
        %run_scoped3A = tpu.sem_alloc : memref<!tpu.dma_semaphore, #tpu.memory_space<semaphore_mem>>
        %dma_start3A = arith.constant 0 : i32
        %dma_start3A_40 = tpu.memref_slice %arg2[%multiple_of3A, %dma_start3A] : memref<2560x128xi32, #tpu.memory_space<hbm>> -> memref<40x128xi32, #tpu.memory_space<hbm>>
        %dma_start3A_41 = arith.constant 0 : i32
        %dma_start3A_42 = tpu.memref_slice %arg2[%multiple_of3A, %dma_start3A_41] : memref<2560x128xi32, #tpu.memory_space<hbm>> -> memref<40x128xi32, #tpu.memory_space<hbm>>
        tpu.enqueue_dma source(%dma_start3A_42 : memref<40x128xi32, #tpu.memory_space<hbm>>) target(%arg4 : memref<40x128xi32, #tpu.memory_space<vmem>>) target_semaphore(%run_scoped3A : memref<!tpu.dma_semaphore, #tpu.memory_space<semaphore_mem>>)
        %dma_wait3A = arith.constant 0 : i32
        %dma_wait3A_43 = tpu.memref_slice %arg2[%multiple_of3A, %dma_wait3A] : memref<2560x128xi32, #tpu.memory_space<hbm>> -> memref<40x128xi32, #tpu.memory_space<hbm>>
        %dma_wait3A_44 = arith.constant 0 : i32
        %dma_wait3A_45 = tpu.memref_slice %arg2[%multiple_of3A, %dma_wait3A_44] : memref<2560x128xi32, #tpu.memory_space<hbm>> -> memref<40x128xi32, #tpu.memory_space<hbm>>
        tpu.wait_dma2 semaphore(%run_scoped3A : memref<!tpu.dma_semaphore, #tpu.memory_space<semaphore_mem>>) src(%dma_wait3A_45 : memref<40x128xi32, #tpu.memory_space<hbm>>) dst(%arg4 : memref<40x128xi32, #tpu.memory_space<vmem>>)
        tpu.yield
      }) : () -> ()
      %scan3A_35 = arith.constant 0 : i32
      %scan3A_36 = arith.constant 40 : i32
      %scan3A_37 = arith.addi %scan3A_35, %scan3A_36 : i32
      %scan3A_38 = arith.constant 1 : i32
      scf.for %scan3A_40 = %scan3A_35 to %scan3A_37 step %scan3A_38  : i32 {
        %mul3A_41 = arith.constant 1 : i32
        %mul3A_42 = arith.muli %scan3A_40, %mul3A_41 : i32
        %add3A_43 = arith.constant 0 : i32
        %add3A_44 = arith.addi %add3A_43, %mul3A_42 : i32
        %scan3A_45 = arith.constant 0 : i32
        %scan3A_46 = arith.constant 8 : i32
        %scan3A_47 = arith.addi %scan3A_45, %scan3A_46 : i32
        %scan3A_48 = arith.constant 1 : i32
        scf.for %scan3A_50 = %scan3A_45 to %scan3A_47 step %scan3A_48  : i32 {
          %mul3A_51 = arith.constant 1 : i32
          %mul3A_52 = arith.muli %scan3A_50, %mul3A_51 : i32
          %add3A_53 = arith.constant 0 : i32
          %add3A_54 = arith.addi %add3A_53, %mul3A_52 : i32
          %mul3A_55 = arith.constant 16 : i32
          %mul3A_56 = arith.muli %add3A_54, %mul3A_55 : i32
          %get3A = arith.index_cast %add3A_44 : i32 to index
          %get3A_57 = arith.index_cast %mul3A_56 : i32 to index
          %get3A_58 = tpu.vector_load %arg4[%get3A, %get3A_57] {strides = array<i32>} : memref<40x128xi32, #tpu.memory_space<vmem>>, vector<16xi32>,
          tpu.vector_store_idx %arg5[%get3A_58], %broadcast_in_dim3A_5 {add = true} : memref<10240xf32, #tpu.memory_space<vmem>>[vector<16xi32>], vector<16xf32>,
        }
        %scan3A_49 = arith.constant 8 : i32
      }
      %scan3A_39 = arith.constant 40 : i32
    }
    %scan3A_14 = arith.constant 2 : i32
    "tpu.region"() ({
      %run_scoped3A = tpu.sem_alloc : memref<!tpu.dma_semaphore, #tpu.memory_space<semaphore_mem>>
      %dma_start3A = arith.constant 0 : i32
      %dma_start3A_27 = tpu.memref_slice %arg8[%arg1, %dma_start3A] : memref<16x10240xf32, #tpu.memory_space<vmem_shared>> -> memref<1x10240xf32, #tpu.memory_space<vmem_shared>>
      %dma_start3A_28 = tpu.memref_squeeze %dma_start3A_27 : memref<1x10240xf32, #tpu.memory_space<vmem_shared>> -> memref<10240xf32, #tpu.memory_space<vmem_shared>>
      %dma_start3A_29 = arith.constant 0 : i32
      %dma_start3A_30 = tpu.memref_slice %arg8[%arg1, %dma_start3A_29] : memref<16x10240xf32, #tpu.memory_space<vmem_shared>> -> memref<1x10240xf32, #tpu.memory_space<vmem_shared>>
      %dma_start3A_31 = tpu.memref_squeeze %dma_start3A_30 : memref<1x10240xf32, #tpu.memory_space<vmem_shared>> -> memref<10240xf32, #tpu.memory_space<vmem_shared>>
      tpu.enqueue_dma source(%arg5 : memref<10240xf32, #tpu.memory_space<vmem>>) target(%dma_start3A_31 : memref<10240xf32, #tpu.memory_space<vmem_shared>>) target_semaphore(%run_scoped3A : memref<!tpu.dma_semaphore, #tpu.memory_space<semaphore_mem>>)
      %dma_wait3A = arith.constant 0 : i32
      %dma_wait3A_32 = tpu.memref_slice %arg8[%arg1, %dma_wait3A] : memref<16x10240xf32, #tpu.memory_space<vmem_shared>> -> memref<1x10240xf32, #tpu.memory_space<vmem_shared>>
      %dma_wait3A_33 = tpu.memref_squeeze %dma_wait3A_32 : memref<1x10240xf32, #tpu.memory_space<vmem_shared>> -> memref<10240xf32, #tpu.memory_space<vmem_shared>>
      %dma_wait3A_34 = arith.constant 0 : i32
      %dma_wait3A_35 = tpu.memref_slice %arg8[%arg1, %dma_wait3A_34] : memref<16x10240xf32, #tpu.memory_space<vmem_shared>> -> memref<1x10240xf32, #tpu.memory_space<vmem_shared>>
      %dma_wait3A_36 = tpu.memref_squeeze %dma_wait3A_35 : memref<1x10240xf32, #tpu.memory_space<vmem_shared>> -> memref<10240xf32, #tpu.memory_space<vmem_shared>>
      tpu.wait_dma2 semaphore(%run_scoped3A : memref<!tpu.dma_semaphore, #tpu.memory_space<semaphore_mem>>) src(%arg5 : memref<10240xf32, #tpu.memory_space<vmem>>) dst(%dma_wait3A_36 : memref<10240xf32, #tpu.memory_space<vmem_shared>>)
      tpu.yield
    }) : () -> ()
    %barrier3A = arith.constant 0 : index
    tpu.barrier barrier_id(%barrier3A)
    %scan3A_15 = arith.constant 0 : i32
    %scan3A_16 = arith.constant 40 : i32
    %scan3A_17 = arith.addi %scan3A_15, %scan3A_16 : i32
    %scan3A_18 = arith.constant 1 : i32
    scf.for %scan3A_27 = %scan3A_15 to %scan3A_17 step %scan3A_18  : i32 {
      %mul3A_28 = arith.constant 1 : i32
      %mul3A_29 = arith.muli %scan3A_27, %mul3A_28 : i32
      %add3A_30 = arith.constant 0 : i32
      %add3A_31 = arith.addi %add3A_30, %mul3A_29 : i32
      %mul3A_32 = arith.constant 16 : i32
      %mul3A_33 = arith.muli %add3A_31, %mul3A_32 : i32
      %swap3A = arith.index_cast %mul3A_33 : i32 to index
      %swap3A_34 = tpu.vector_load %arg7[%swap3A] {strides = array<i32>} : memref<640xf32, #tpu.memory_space<vmem>>, vector<16xf32>,
      tpu.vector_store %arg7[%swap3A], %broadcast_in_dim3A_3 {strides = array<i32>} : memref<640xf32, #tpu.memory_space<vmem>>, vector<16xf32>,
    }
    %scan3A_19 = arith.constant 40 : i32
    %scan3A_20 = arith.constant 0 : i32
    %scan3A_21 = arith.constant 16 : i32
    %scan3A_22 = arith.addi %scan3A_20, %scan3A_21 : i32
    %scan3A_23 = arith.constant 1 : i32
    scf.for %scan3A_27 = %scan3A_20 to %scan3A_22 step %scan3A_23  : i32 {
      %mul3A_28 = arith.constant 1 : i32
      %mul3A_29 = arith.muli %scan3A_27, %mul3A_28 : i32
      %add3A_30 = arith.constant 0 : i32
      %add3A_31 = arith.addi %add3A_30, %mul3A_29 : i32
      %mul3A_32 = arith.constant 640 : i32
      %mul3A_33 = arith.muli %arg1, %mul3A_32 : i32
      "tpu.region"() ({
        %run_scoped3A = tpu.sem_alloc : memref<!tpu.dma_semaphore, #tpu.memory_space<semaphore_mem>>
        %dma_start3A = arith.constant 0 : i32
        %dma_start3A_39 = tpu.memref_slice %arg8[%add3A_31, %dma_start3A] : memref<16x10240xf32, #tpu.memory_space<vmem_shared>> -> memref<1x10240xf32, #tpu.memory_space<vmem_shared>>
        %dma_start3A_40 = tpu.memref_squeeze %dma_start3A_39 : memref<1x10240xf32, #tpu.memory_space<vmem_shared>> -> memref<10240xf32, #tpu.memory_space<vmem_shared>>
        %dma_start3A_41 = tpu.memref_slice %dma_start3A_40[%mul3A_33] : memref<10240xf32, #tpu.memory_space<vmem_shared>> -> memref<640xf32, #tpu.memory_space<vmem_shared>>
        %dma_start3A_42 = arith.constant 0 : i32
        %dma_start3A_43 = tpu.memref_slice %arg8[%add3A_31, %dma_start3A_42] : memref<16x10240xf32, #tpu.memory_space<vmem_shared>> -> memref<1x10240xf32, #tpu.memory_space<vmem_shared>>
        %dma_start3A_44 = tpu.memref_squeeze %dma_start3A_43 : memref<1x10240xf32, #tpu.memory_space<vmem_shared>> -> memref<10240xf32, #tpu.memory_space<vmem_shared>>
        %dma_start3A_45 = tpu.memref_slice %dma_start3A_44[%mul3A_33] : memref<10240xf32, #tpu.memory_space<vmem_shared>> -> memref<640xf32, #tpu.memory_space<vmem_shared>>
        tpu.enqueue_dma source(%dma_start3A_45 : memref<640xf32, #tpu.memory_space<vmem_shared>>) target(%arg6 : memref<640xf32, #tpu.memory_space<vmem>>) target_semaphore(%run_scoped3A : memref<!tpu.dma_semaphore, #tpu.memory_space<semaphore_mem>>)
        %dma_wait3A = arith.constant 0 : i32
        %dma_wait3A_46 = tpu.memref_slice %arg8[%add3A_31, %dma_wait3A] : memref<16x10240xf32, #tpu.memory_space<vmem_shared>> -> memref<1x10240xf32, #tpu.memory_space<vmem_shared>>
        %dma_wait3A_47 = tpu.memref_squeeze %dma_wait3A_46 : memref<1x10240xf32, #tpu.memory_space<vmem_shared>> -> memref<10240xf32, #tpu.memory_space<vmem_shared>>
        %dma_wait3A_48 = tpu.memref_slice %dma_wait3A_47[%mul3A_33] : memref<10240xf32, #tpu.memory_space<vmem_shared>> -> memref<640xf32, #tpu.memory_space<vmem_shared>>
        %dma_wait3A_49 = arith.constant 0 : i32
        %dma_wait3A_50 = tpu.memref_slice %arg8[%add3A_31, %dma_wait3A_49] : memref<16x10240xf32, #tpu.memory_space<vmem_shared>> -> memref<1x10240xf32, #tpu.memory_space<vmem_shared>>
        %dma_wait3A_51 = tpu.memref_squeeze %dma_wait3A_50 : memref<1x10240xf32, #tpu.memory_space<vmem_shared>> -> memref<10240xf32, #tpu.memory_space<vmem_shared>>
        %dma_wait3A_52 = tpu.memref_slice %dma_wait3A_51[%mul3A_33] : memref<10240xf32, #tpu.memory_space<vmem_shared>> -> memref<640xf32, #tpu.memory_space<vmem_shared>>
        tpu.wait_dma2 semaphore(%run_scoped3A : memref<!tpu.dma_semaphore, #tpu.memory_space<semaphore_mem>>) src(%dma_wait3A_52 : memref<640xf32, #tpu.memory_space<vmem_shared>>) dst(%arg6 : memref<640xf32, #tpu.memory_space<vmem>>)
        tpu.yield
      }) : () -> ()
      %scan3A_34 = arith.constant 0 : i32
      %scan3A_35 = arith.constant 40 : i32
      %scan3A_36 = arith.addi %scan3A_34, %scan3A_35 : i32
      %scan3A_37 = arith.constant 1 : i32
      scf.for %scan3A_39 = %scan3A_34 to %scan3A_36 step %scan3A_37  : i32 {
        %mul3A_40 = arith.constant 1 : i32
        %mul3A_41 = arith.muli %scan3A_39, %mul3A_40 : i32
        %add3A_42 = arith.constant 0 : i32
        %add3A_43 = arith.addi %add3A_42, %mul3A_41 : i32
        %mul3A_44 = arith.constant 16 : i32
        %mul3A_45 = arith.muli %add3A_43, %mul3A_44 : i32
        %get3A = arith.index_cast %mul3A_45 : i32 to index
        %get3A_46 = tpu.vector_load %arg7[%get3A] {strides = array<i32>} : memref<640xf32, #tpu.memory_space<vmem>>, vector<16xf32>,
        %get3A_47 = arith.index_cast %mul3A_45 : i32 to index
        %get3A_48 = tpu.vector_load %arg6[%get3A_47] {strides = array<i32>} : memref<640xf32, #tpu.memory_space<vmem>>, vector<16xf32>,
        %add3A_49 = arith.addf %get3A_46, %get3A_48 : vector<16xf32>
        %swap3A = arith.index_cast %mul3A_45 : i32 to index
        %swap3A_50 = tpu.vector_load %arg7[%swap3A] {strides = array<i32>} : memref<640xf32, #tpu.memory_space<vmem>>, vector<16xf32>,
        tpu.vector_store %arg7[%swap3A], %add3A_49 {strides = array<i32>} : memref<640xf32, #tpu.memory_space<vmem>>, vector<16xf32>,
      }
      %scan3A_38 = arith.constant 40 : i32
    }
    %scan3A_24 = arith.constant 16 : i32
    %mul3A_25 = arith.constant 640 : i32
    %mul3A_26 = arith.muli %arg1, %mul3A_25 : i32
    "tpu.region"() ({
      %run_scoped3A = tpu.sem_alloc : memref<!tpu.dma_semaphore, #tpu.memory_space<semaphore_mem>>
      %dma_start3A = arith.constant 0 : i32
      %dma_start3A_27 = tpu.memref_slice %arg3[%arg0, %dma_start3A] : memref<2x10240xf32, #tpu.memory_space<hbm>> -> memref<1x10240xf32, #tpu.memory_space<hbm>>
      %dma_start3A_28 = tpu.memref_squeeze %dma_start3A_27 : memref<1x10240xf32, #tpu.memory_space<hbm>> -> memref<10240xf32, #tpu.memory_space<hbm>>
      %dma_start3A_29 = tpu.memref_slice %dma_start3A_28[%mul3A_26] : memref<10240xf32, #tpu.memory_space<hbm>> -> memref<640xf32, #tpu.memory_space<hbm>>
      %dma_start3A_30 = arith.constant 0 : i32
      %dma_start3A_31 = tpu.memref_slice %arg3[%arg0, %dma_start3A_30] : memref<2x10240xf32, #tpu.memory_space<hbm>> -> memref<1x10240xf32, #tpu.memory_space<hbm>>
      %dma_start3A_32 = tpu.memref_squeeze %dma_start3A_31 : memref<1x10240xf32, #tpu.memory_space<hbm>> -> memref<10240xf32, #tpu.memory_space<hbm>>
      %dma_start3A_33 = tpu.memref_slice %dma_start3A_32[%mul3A_26] : memref<10240xf32, #tpu.memory_space<hbm>> -> memref<640xf32, #tpu.memory_space<hbm>>
      tpu.enqueue_dma source(%arg7 : memref<640xf32, #tpu.memory_space<vmem>>) target(%dma_start3A_33 : memref<640xf32, #tpu.memory_space<hbm>>) target_semaphore(%run_scoped3A : memref<!tpu.dma_semaphore, #tpu.memory_space<semaphore_mem>>)
      %dma_wait3A = arith.constant 0 : i32
      %dma_wait3A_34 = tpu.memref_slice %arg3[%arg0, %dma_wait3A] : memref<2x10240xf32, #tpu.memory_space<hbm>> -> memref<1x10240xf32, #tpu.memory_space<hbm>>
      %dma_wait3A_35 = tpu.memref_squeeze %dma_wait3A_34 : memref<1x10240xf32, #tpu.memory_space<hbm>> -> memref<10240xf32, #tpu.memory_space<hbm>>
      %dma_wait3A_36 = tpu.memref_slice %dma_wait3A_35[%mul3A_26] : memref<10240xf32, #tpu.memory_space<hbm>> -> memref<640xf32, #tpu.memory_space<hbm>>
      %dma_wait3A_37 = arith.constant 0 : i32
      %dma_wait3A_38 = tpu.memref_slice %arg3[%arg0, %dma_wait3A_37] : memref<2x10240xf32, #tpu.memory_space<hbm>> -> memref<1x10240xf32, #tpu.memory_space<hbm>>
      %dma_wait3A_39 = tpu.memref_squeeze %dma_wait3A_38 : memref<1x10240xf32, #tpu.memory_space<hbm>> -> memref<10240xf32, #tpu.memory_space<hbm>>
      %dma_wait3A_40 = tpu.memref_slice %dma_wait3A_39[%mul3A_26] : memref<10240xf32, #tpu.memory_space<hbm>> -> memref<640xf32, #tpu.memory_space<hbm>>
      tpu.wait_dma2 semaphore(%run_scoped3A : memref<!tpu.dma_semaphore, #tpu.memory_space<semaphore_mem>>) src(%arg7 : memref<640xf32, #tpu.memory_space<vmem>>) dst(%dma_wait3A_40 : memref<640xf32, #tpu.memory_space<hbm>>)
      tpu.yield
    }) : () -> ()
    return
  }
}

#map = affine_map<(d0, d1) -> (0, 0)>
#map1 = affine_map<(d0, d1) -> (0, 0, 0)>
module attributes {stable_mosaic.version = 14 : i64} {
  func.func @agg_kernel(%arg0: i32, %arg1: i32, %arg2: memref<10240x128xf32, #tpu.memory_space<hbm>>, %arg3: memref<2560x128xi32, #tpu.memory_space<hbm>>, %arg4: memref<2560x128xi32, #tpu.memory_space<hbm>>, %arg5: memref<640x128xf32, #tpu.memory_space<hbm>>, %arg6: memref<2x10240x128xf32, #tpu.memory_space<hbm>>, %arg7: memref<40x128xi32, #tpu.memory_space<vmem>>, %arg8: memref<40x128xi32, #tpu.memory_space<vmem>>, %arg9: memref<128x128xf32, #tpu.memory_space<vmem>>, %arg10: memref<128x128xf32, #tpu.memory_space<vmem>>, %arg11: memref<10240x128xf32, #tpu.memory_space<vmem_shared>>, %arg12: memref<!tpu.dma_semaphore, #tpu.memory_space<semaphore_mem>>, %arg13: memref<!tpu.dma_semaphore, #tpu.memory_space<semaphore_mem>>) attributes {dimension_semantics = [#tpu.dimension_semantics<core_parallel>, #tpu.dimension_semantics<subcore_parallel>], iteration_bounds = array<i64: 2, 16>, scalar_prefetch = 0 : i64, scratch_operands = 7 : i64, tpu.core_type = #tpu.core_type<sc_vector_subcore>, window_params = [{transform_indices = #map}, {transform_indices = #map}, {transform_indices = #map}, {transform_indices = #map}, {transform_indices = #map1}]} {
    %mul3A = arith.constant 16 : i32
    %mul3A_0 = arith.muli %arg0, %mul3A : i32
    %add3A = arith.addi %mul3A_0, %arg1 : i32
    %mul3A_1 = arith.constant 80 : i32
    %mul3A_2 = arith.muli %add3A, %mul3A_1 : i32
    %mul3A_3 = arith.constant 640 : i32
    %mul3A_4 = arith.muli %arg1, %mul3A_3 : i32
    "tpu.region"() ({
      %run_scoped3A = tpu.sem_alloc : memref<!tpu.dma_semaphore, #tpu.memory_space<semaphore_mem>>
      %dma_start3A = arith.constant 0 : i32
      %dma_start3A_14 = tpu.memref_slice %arg11[%mul3A_4, %dma_start3A] : memref<10240x128xf32, #tpu.memory_space<vmem_shared>> -> memref<640x128xf32, #tpu.memory_space<vmem_shared>>
      tpu.enqueue_dma source(%arg5 : memref<640x128xf32, #tpu.memory_space<hbm>>) target(%dma_start3A_14 : memref<640x128xf32, #tpu.memory_space<vmem_shared>>) target_semaphore(%run_scoped3A : memref<!tpu.dma_semaphore, #tpu.memory_space<semaphore_mem>>)
      %dma_wait3A = arith.constant 0 : i32
      %dma_wait3A_15 = tpu.memref_slice %arg11[%mul3A_4, %dma_wait3A] : memref<10240x128xf32, #tpu.memory_space<vmem_shared>> -> memref<640x128xf32, #tpu.memory_space<vmem_shared>>
      tpu.wait_dma2 semaphore(%run_scoped3A : memref<!tpu.dma_semaphore, #tpu.memory_space<semaphore_mem>>) src(%arg5 : memref<640x128xf32, #tpu.memory_space<hbm>>) dst(%dma_wait3A_15 : memref<640x128xf32, #tpu.memory_space<vmem_shared>>)
      tpu.yield
    }) : () -> ()
    %barrier3A = arith.constant 0 : index
    tpu.barrier barrier_id(%barrier3A)
    %scan3A = arith.constant 0 : i32
    %scan3A_5 = arith.constant 2 : i32
    %scan3A_6 = arith.addi %scan3A, %scan3A_5 : i32
    %scan3A_7 = arith.constant 1 : i32
    scf.for %scan3A_14 = %scan3A to %scan3A_6 step %scan3A_7  : i32 {
      %mul3A_15 = arith.constant 1 : i32
      %mul3A_16 = arith.muli %scan3A_14, %mul3A_15 : i32
      %add3A_17 = arith.constant 0 : i32
      %add3A_18 = arith.addi %add3A_17, %mul3A_16 : i32
      %mul3A_19 = arith.constant 40 : i32
      %mul3A_20 = arith.muli %add3A_18, %mul3A_19 : i32
      %add3A_21 = arith.addi %mul3A_2, %mul3A_20 : i32
      %multiple_of3A = tpu.assume_multiple %add3A_21, 8 : i32
      "tpu.region"() ({
        %run_scoped3A_54 = tpu.sem_alloc : memref<!tpu.dma_semaphore, #tpu.memory_space<semaphore_mem>>
        %dma_start3A_55 = arith.constant 0 : i32
        %dma_start3A_56 = tpu.memref_slice %arg3[%multiple_of3A, %dma_start3A_55] : memref<2560x128xi32, #tpu.memory_space<hbm>> -> memref<40x128xi32, #tpu.memory_space<hbm>>
        %dma_start3A_57 = arith.constant 0 : i32
        %dma_start3A_58 = tpu.memref_slice %arg3[%multiple_of3A, %dma_start3A_57] : memref<2560x128xi32, #tpu.memory_space<hbm>> -> memref<40x128xi32, #tpu.memory_space<hbm>>
        tpu.enqueue_dma source(%dma_start3A_58 : memref<40x128xi32, #tpu.memory_space<hbm>>) target(%arg7 : memref<40x128xi32, #tpu.memory_space<vmem>>) target_semaphore(%run_scoped3A_54 : memref<!tpu.dma_semaphore, #tpu.memory_space<semaphore_mem>>)
        %dma_wait3A_59 = arith.constant 0 : i32
        %dma_wait3A_60 = tpu.memref_slice %arg3[%multiple_of3A, %dma_wait3A_59] : memref<2560x128xi32, #tpu.memory_space<hbm>> -> memref<40x128xi32, #tpu.memory_space<hbm>>
        %dma_wait3A_61 = arith.constant 0 : i32
        %dma_wait3A_62 = tpu.memref_slice %arg3[%multiple_of3A, %dma_wait3A_61] : memref<2560x128xi32, #tpu.memory_space<hbm>> -> memref<40x128xi32, #tpu.memory_space<hbm>>
        tpu.wait_dma2 semaphore(%run_scoped3A_54 : memref<!tpu.dma_semaphore, #tpu.memory_space<semaphore_mem>>) src(%dma_wait3A_62 : memref<40x128xi32, #tpu.memory_space<hbm>>) dst(%arg7 : memref<40x128xi32, #tpu.memory_space<vmem>>)
        tpu.yield
      }) : () -> ()
      "tpu.region"() ({
        %run_scoped3A_54 = tpu.sem_alloc : memref<!tpu.dma_semaphore, #tpu.memory_space<semaphore_mem>>
        %dma_start3A_55 = arith.constant 0 : i32
        %dma_start3A_56 = tpu.memref_slice %arg4[%multiple_of3A, %dma_start3A_55] : memref<2560x128xi32, #tpu.memory_space<hbm>> -> memref<40x128xi32, #tpu.memory_space<hbm>>
        %dma_start3A_57 = arith.constant 0 : i32
        %dma_start3A_58 = tpu.memref_slice %arg4[%multiple_of3A, %dma_start3A_57] : memref<2560x128xi32, #tpu.memory_space<hbm>> -> memref<40x128xi32, #tpu.memory_space<hbm>>
        tpu.enqueue_dma source(%dma_start3A_58 : memref<40x128xi32, #tpu.memory_space<hbm>>) target(%arg8 : memref<40x128xi32, #tpu.memory_space<vmem>>) target_semaphore(%run_scoped3A_54 : memref<!tpu.dma_semaphore, #tpu.memory_space<semaphore_mem>>)
        %dma_wait3A_59 = arith.constant 0 : i32
        %dma_wait3A_60 = tpu.memref_slice %arg4[%multiple_of3A, %dma_wait3A_59] : memref<2560x128xi32, #tpu.memory_space<hbm>> -> memref<40x128xi32, #tpu.memory_space<hbm>>
        %dma_wait3A_61 = arith.constant 0 : i32
        %dma_wait3A_62 = tpu.memref_slice %arg4[%multiple_of3A, %dma_wait3A_61] : memref<2560x128xi32, #tpu.memory_space<hbm>> -> memref<40x128xi32, #tpu.memory_space<hbm>>
        tpu.wait_dma2 semaphore(%run_scoped3A_54 : memref<!tpu.dma_semaphore, #tpu.memory_space<semaphore_mem>>) src(%dma_wait3A_62 : memref<40x128xi32, #tpu.memory_space<hbm>>) dst(%arg8 : memref<40x128xi32, #tpu.memory_space<vmem>>)
        tpu.yield
      }) : () -> ()
      %dma_start3A = arith.constant 0 : i32
      %dma_start3A_22 = arith.constant 0 : i32
      %dma_start3A_23 = tpu.memref_slice %arg7[%dma_start3A, %dma_start3A_22] : memref<40x128xi32, #tpu.memory_space<vmem>> -> memref<1x128xi32, #tpu.memory_space<vmem>>
      %dma_start3A_24 = tpu.memref_squeeze %dma_start3A_23 : memref<1x128xi32, #tpu.memory_space<vmem>> -> memref<128xi32, #tpu.memory_space<vmem>>
      %dma_start3A_25 = arith.constant 0 : i32
      %dma_start3A_26 = arith.constant 0 : i32
      %dma_start3A_27 = tpu.memref_slice %arg2[%dma_start3A_25, %dma_start3A_26] : memref<10240x128xf32, #tpu.memory_space<hbm>> -> memref<10240x128xf32, #tpu.memory_space<hbm>>
      tpu.enqueue_indirect_dma source(%dma_start3A_27 : memref<10240x128xf32, #tpu.memory_space<hbm>>) target(%arg9 : memref<128x128xf32, #tpu.memory_space<vmem>>) offsets(%dma_start3A_24 : memref<128xi32, #tpu.memory_space<vmem>>) semaphore(%arg12 : memref<!tpu.dma_semaphore, #tpu.memory_space<semaphore_mem>>)
      %scan3A_28 = arith.constant 0 : i32
      %scan3A_29 = arith.constant 19 : i32
      %scan3A_30 = arith.addi %scan3A_28, %scan3A_29 : i32
      %scan3A_31 = arith.constant 1 : i32
      scf.for %scan3A_54 = %scan3A_28 to %scan3A_30 step %scan3A_31  : i32 {
        %mul3A_55 = arith.constant 1 : i32
        %mul3A_56 = arith.muli %scan3A_54, %mul3A_55 : i32
        %add3A_57 = arith.constant 0 : i32
        %add3A_58 = arith.addi %add3A_57, %mul3A_56 : i32
        %mul3A_59 = arith.constant 2 : i32
        %mul3A_60 = arith.muli %mul3A_59, %add3A_58 : i32
        %add3A_61 = arith.constant 1 : i32
        %add3A_62 = arith.addi %mul3A_60, %add3A_61 : i32
        %dma_start3A_63 = arith.constant 0 : i32
        %dma_start3A_64 = tpu.memref_slice %arg7[%add3A_62, %dma_start3A_63] : memref<40x128xi32, #tpu.memory_space<vmem>> -> memref<1x128xi32, #tpu.memory_space<vmem>>
        %dma_start3A_65 = tpu.memref_squeeze %dma_start3A_64 : memref<1x128xi32, #tpu.memory_space<vmem>> -> memref<128xi32, #tpu.memory_space<vmem>>
        %dma_start3A_66 = arith.constant 0 : i32
        %dma_start3A_67 = arith.constant 0 : i32
        %dma_start3A_68 = tpu.memref_slice %arg2[%dma_start3A_66, %dma_start3A_67] : memref<10240x128xf32, #tpu.memory_space<hbm>> -> memref<10240x128xf32, #tpu.memory_space<hbm>>
        tpu.enqueue_indirect_dma source(%dma_start3A_68 : memref<10240x128xf32, #tpu.memory_space<hbm>>) target(%arg10 : memref<128x128xf32, #tpu.memory_space<vmem>>) offsets(%dma_start3A_65 : memref<128xi32, #tpu.memory_space<vmem>>) semaphore(%arg13 : memref<!tpu.dma_semaphore, #tpu.memory_space<semaphore_mem>>)
        %dma_wait3A_69 = arith.constant 0 : i32
        %dma_wait3A_70 = tpu.memref_slice %arg7[%mul3A_60, %dma_wait3A_69] : memref<40x128xi32, #tpu.memory_space<vmem>> -> memref<1x128xi32, #tpu.memory_space<vmem>>
        %dma_wait3A_71 = tpu.memref_squeeze %dma_wait3A_70 : memref<1x128xi32, #tpu.memory_space<vmem>> -> memref<128xi32, #tpu.memory_space<vmem>>
        %dma_wait3A_72 = arith.constant 0 : i32
        %dma_wait3A_73 = arith.constant 0 : i32
        %dma_wait3A_74 = tpu.memref_slice %arg2[%dma_wait3A_72, %dma_wait3A_73] : memref<10240x128xf32, #tpu.memory_space<hbm>> -> memref<10240x128xf32, #tpu.memory_space<hbm>>
        tpu.wait_indirect_dma semaphore(%arg12 : memref<!tpu.dma_semaphore, #tpu.memory_space<semaphore_mem>>) src(%dma_wait3A_74 : memref<10240x128xf32, #tpu.memory_space<hbm>>) dst(%arg9 : memref<128x128xf32, #tpu.memory_space<vmem>>)
        "tpu.region"() ({
          %run_scoped3A_93 = tpu.sem_alloc : memref<!tpu.dma_semaphore, #tpu.memory_space<semaphore_mem>>
          %dma_start3A_94 = arith.constant 0 : i32
          %dma_start3A_95 = tpu.memref_slice %arg8[%mul3A_60, %dma_start3A_94] : memref<40x128xi32, #tpu.memory_space<vmem>> -> memref<1x128xi32, #tpu.memory_space<vmem>>
          %dma_start3A_96 = tpu.memref_squeeze %dma_start3A_95 : memref<1x128xi32, #tpu.memory_space<vmem>> -> memref<128xi32, #tpu.memory_space<vmem>>
          %dma_start3A_97 = arith.constant 0 : i32
          %dma_start3A_98 = arith.constant 0 : i32
          %dma_start3A_99 = tpu.memref_slice %arg11[%dma_start3A_97, %dma_start3A_98] : memref<10240x128xf32, #tpu.memory_space<vmem_shared>> -> memref<10240x128xf32, #tpu.memory_space<vmem_shared>>
          tpu.enqueue_indirect_dma source(%arg9 : memref<128x128xf32, #tpu.memory_space<vmem>>) target(%dma_start3A_99 : memref<10240x128xf32, #tpu.memory_space<vmem_shared>>) offsets(%dma_start3A_96 : memref<128xi32, #tpu.memory_space<vmem>>) semaphore(%run_scoped3A_93 : memref<!tpu.dma_semaphore, #tpu.memory_space<semaphore_mem>>) {add = true}
          %dma_wait3A_100 = arith.constant 0 : i32
          %dma_wait3A_101 = tpu.memref_slice %arg8[%mul3A_60, %dma_wait3A_100] : memref<40x128xi32, #tpu.memory_space<vmem>> -> memref<1x128xi32, #tpu.memory_space<vmem>>
          %dma_wait3A_102 = tpu.memref_squeeze %dma_wait3A_101 : memref<1x128xi32, #tpu.memory_space<vmem>> -> memref<128xi32, #tpu.memory_space<vmem>>
          %dma_wait3A_103 = arith.constant 0 : i32
          %dma_wait3A_104 = arith.constant 0 : i32
          %dma_wait3A_105 = tpu.memref_slice %arg11[%dma_wait3A_103, %dma_wait3A_104] : memref<10240x128xf32, #tpu.memory_space<vmem_shared>> -> memref<10240x128xf32, #tpu.memory_space<vmem_shared>>
          tpu.wait_indirect_dma semaphore(%run_scoped3A_93 : memref<!tpu.dma_semaphore, #tpu.memory_space<semaphore_mem>>) src(%arg9 : memref<128x128xf32, #tpu.memory_space<vmem>>) dst(%dma_wait3A_105 : memref<10240x128xf32, #tpu.memory_space<vmem_shared>>)
          tpu.yield
        }) : () -> ()
        %add3A_75 = arith.constant 2 : i32
        %add3A_76 = arith.addi %mul3A_60, %add3A_75 : i32
        %dma_start3A_77 = arith.constant 0 : i32
        %dma_start3A_78 = tpu.memref_slice %arg7[%add3A_76, %dma_start3A_77] : memref<40x128xi32, #tpu.memory_space<vmem>> -> memref<1x128xi32, #tpu.memory_space<vmem>>
        %dma_start3A_79 = tpu.memref_squeeze %dma_start3A_78 : memref<1x128xi32, #tpu.memory_space<vmem>> -> memref<128xi32, #tpu.memory_space<vmem>>
        %dma_start3A_80 = arith.constant 0 : i32
        %dma_start3A_81 = arith.constant 0 : i32
        %dma_start3A_82 = tpu.memref_slice %arg2[%dma_start3A_80, %dma_start3A_81] : memref<10240x128xf32, #tpu.memory_space<hbm>> -> memref<10240x128xf32, #tpu.memory_space<hbm>>
        tpu.enqueue_indirect_dma source(%dma_start3A_82 : memref<10240x128xf32, #tpu.memory_space<hbm>>) target(%arg9 : memref<128x128xf32, #tpu.memory_space<vmem>>) offsets(%dma_start3A_79 : memref<128xi32, #tpu.memory_space<vmem>>) semaphore(%arg12 : memref<!tpu.dma_semaphore, #tpu.memory_space<semaphore_mem>>)
        %add3A_83 = arith.constant 1 : i32
        %add3A_84 = arith.addi %mul3A_60, %add3A_83 : i32
        %dma_wait3A_85 = arith.constant 0 : i32
        %dma_wait3A_86 = tpu.memref_slice %arg7[%add3A_84, %dma_wait3A_85] : memref<40x128xi32, #tpu.memory_space<vmem>> -> memref<1x128xi32, #tpu.memory_space<vmem>>
        %dma_wait3A_87 = tpu.memref_squeeze %dma_wait3A_86 : memref<1x128xi32, #tpu.memory_space<vmem>> -> memref<128xi32, #tpu.memory_space<vmem>>
        %dma_wait3A_88 = arith.constant 0 : i32
        %dma_wait3A_89 = arith.constant 0 : i32
        %dma_wait3A_90 = tpu.memref_slice %arg2[%dma_wait3A_88, %dma_wait3A_89] : memref<10240x128xf32, #tpu.memory_space<hbm>> -> memref<10240x128xf32, #tpu.memory_space<hbm>>
        tpu.wait_indirect_dma semaphore(%arg13 : memref<!tpu.dma_semaphore, #tpu.memory_space<semaphore_mem>>) src(%dma_wait3A_90 : memref<10240x128xf32, #tpu.memory_space<hbm>>) dst(%arg10 : memref<128x128xf32, #tpu.memory_space<vmem>>)
        %add3A_91 = arith.constant 1 : i32
        %add3A_92 = arith.addi %mul3A_60, %add3A_91 : i32
        "tpu.region"() ({
          %run_scoped3A_93 = tpu.sem_alloc : memref<!tpu.dma_semaphore, #tpu.memory_space<semaphore_mem>>
          %dma_start3A_94 = arith.constant 0 : i32
          %dma_start3A_95 = tpu.memref_slice %arg8[%add3A_92, %dma_start3A_94] : memref<40x128xi32, #tpu.memory_space<vmem>> -> memref<1x128xi32, #tpu.memory_space<vmem>>
          %dma_start3A_96 = tpu.memref_squeeze %dma_start3A_95 : memref<1x128xi32, #tpu.memory_space<vmem>> -> memref<128xi32, #tpu.memory_space<vmem>>
          %dma_start3A_97 = arith.constant 0 : i32
          %dma_start3A_98 = arith.constant 0 : i32
          %dma_start3A_99 = tpu.memref_slice %arg11[%dma_start3A_97, %dma_start3A_98] : memref<10240x128xf32, #tpu.memory_space<vmem_shared>> -> memref<10240x128xf32, #tpu.memory_space<vmem_shared>>
          tpu.enqueue_indirect_dma source(%arg10 : memref<128x128xf32, #tpu.memory_space<vmem>>) target(%dma_start3A_99 : memref<10240x128xf32, #tpu.memory_space<vmem_shared>>) offsets(%dma_start3A_96 : memref<128xi32, #tpu.memory_space<vmem>>) semaphore(%run_scoped3A_93 : memref<!tpu.dma_semaphore, #tpu.memory_space<semaphore_mem>>) {add = true}
          %dma_wait3A_100 = arith.constant 0 : i32
          %dma_wait3A_101 = tpu.memref_slice %arg8[%add3A_92, %dma_wait3A_100] : memref<40x128xi32, #tpu.memory_space<vmem>> -> memref<1x128xi32, #tpu.memory_space<vmem>>
          %dma_wait3A_102 = tpu.memref_squeeze %dma_wait3A_101 : memref<1x128xi32, #tpu.memory_space<vmem>> -> memref<128xi32, #tpu.memory_space<vmem>>
          %dma_wait3A_103 = arith.constant 0 : i32
          %dma_wait3A_104 = arith.constant 0 : i32
          %dma_wait3A_105 = tpu.memref_slice %arg11[%dma_wait3A_103, %dma_wait3A_104] : memref<10240x128xf32, #tpu.memory_space<vmem_shared>> -> memref<10240x128xf32, #tpu.memory_space<vmem_shared>>
          tpu.wait_indirect_dma semaphore(%run_scoped3A_93 : memref<!tpu.dma_semaphore, #tpu.memory_space<semaphore_mem>>) src(%arg10 : memref<128x128xf32, #tpu.memory_space<vmem>>) dst(%dma_wait3A_105 : memref<10240x128xf32, #tpu.memory_space<vmem_shared>>)
          tpu.yield
        }) : () -> ()
      }
      %scan3A_32 = arith.constant 19 : i32
      %dma_start3A_33 = arith.constant 39 : i32
      %dma_start3A_34 = arith.constant 0 : i32
      %dma_start3A_35 = tpu.memref_slice %arg7[%dma_start3A_33, %dma_start3A_34] : memref<40x128xi32, #tpu.memory_space<vmem>> -> memref<1x128xi32, #tpu.memory_space<vmem>>
      %dma_start3A_36 = tpu.memref_squeeze %dma_start3A_35 : memref<1x128xi32, #tpu.memory_space<vmem>> -> memref<128xi32, #tpu.memory_space<vmem>>
      %dma_start3A_37 = arith.constant 0 : i32
      %dma_start3A_38 = arith.constant 0 : i32
      %dma_start3A_39 = tpu.memref_slice %arg2[%dma_start3A_37, %dma_start3A_38] : memref<10240x128xf32, #tpu.memory_space<hbm>> -> memref<10240x128xf32, #tpu.memory_space<hbm>>
      tpu.enqueue_indirect_dma source(%dma_start3A_39 : memref<10240x128xf32, #tpu.memory_space<hbm>>) target(%arg10 : memref<128x128xf32, #tpu.memory_space<vmem>>) offsets(%dma_start3A_36 : memref<128xi32, #tpu.memory_space<vmem>>) semaphore(%arg13 : memref<!tpu.dma_semaphore, #tpu.memory_space<semaphore_mem>>)
      %dma_wait3A = arith.constant 38 : i32
      %dma_wait3A_40 = arith.constant 0 : i32
      %dma_wait3A_41 = tpu.memref_slice %arg7[%dma_wait3A, %dma_wait3A_40] : memref<40x128xi32, #tpu.memory_space<vmem>> -> memref<1x128xi32, #tpu.memory_space<vmem>>
      %dma_wait3A_42 = tpu.memref_squeeze %dma_wait3A_41 : memref<1x128xi32, #tpu.memory_space<vmem>> -> memref<128xi32, #tpu.memory_space<vmem>>
      %dma_wait3A_43 = arith.constant 0 : i32
      %dma_wait3A_44 = arith.constant 0 : i32
      %dma_wait3A_45 = tpu.memref_slice %arg2[%dma_wait3A_43, %dma_wait3A_44] : memref<10240x128xf32, #tpu.memory_space<hbm>> -> memref<10240x128xf32, #tpu.memory_space<hbm>>
      tpu.wait_indirect_dma semaphore(%arg12 : memref<!tpu.dma_semaphore, #tpu.memory_space<semaphore_mem>>) src(%dma_wait3A_45 : memref<10240x128xf32, #tpu.memory_space<hbm>>) dst(%arg9 : memref<128x128xf32, #tpu.memory_space<vmem>>)
      %run_scoped3A = arith.constant 38 : i32
      "tpu.region"() ({
        %run_scoped3A_54 = tpu.sem_alloc : memref<!tpu.dma_semaphore, #tpu.memory_space<semaphore_mem>>
        %dma_start3A_55 = arith.constant 0 : i32
        %dma_start3A_56 = tpu.memref_slice %arg8[%run_scoped3A, %dma_start3A_55] : memref<40x128xi32, #tpu.memory_space<vmem>> -> memref<1x128xi32, #tpu.memory_space<vmem>>
        %dma_start3A_57 = tpu.memref_squeeze %dma_start3A_56 : memref<1x128xi32, #tpu.memory_space<vmem>> -> memref<128xi32, #tpu.memory_space<vmem>>
        %dma_start3A_58 = arith.constant 0 : i32
        %dma_start3A_59 = arith.constant 0 : i32
        %dma_start3A_60 = tpu.memref_slice %arg11[%dma_start3A_58, %dma_start3A_59] : memref<10240x128xf32, #tpu.memory_space<vmem_shared>> -> memref<10240x128xf32, #tpu.memory_space<vmem_shared>>
        tpu.enqueue_indirect_dma source(%arg9 : memref<128x128xf32, #tpu.memory_space<vmem>>) target(%dma_start3A_60 : memref<10240x128xf32, #tpu.memory_space<vmem_shared>>) offsets(%dma_start3A_57 : memref<128xi32, #tpu.memory_space<vmem>>) semaphore(%run_scoped3A_54 : memref<!tpu.dma_semaphore, #tpu.memory_space<semaphore_mem>>) {add = true}
        %dma_wait3A_61 = arith.constant 0 : i32
        %dma_wait3A_62 = tpu.memref_slice %arg8[%run_scoped3A, %dma_wait3A_61] : memref<40x128xi32, #tpu.memory_space<vmem>> -> memref<1x128xi32, #tpu.memory_space<vmem>>
        %dma_wait3A_63 = tpu.memref_squeeze %dma_wait3A_62 : memref<1x128xi32, #tpu.memory_space<vmem>> -> memref<128xi32, #tpu.memory_space<vmem>>
        %dma_wait3A_64 = arith.constant 0 : i32
        %dma_wait3A_65 = arith.constant 0 : i32
        %dma_wait3A_66 = tpu.memref_slice %arg11[%dma_wait3A_64, %dma_wait3A_65] : memref<10240x128xf32, #tpu.memory_space<vmem_shared>> -> memref<10240x128xf32, #tpu.memory_space<vmem_shared>>
        tpu.wait_indirect_dma semaphore(%run_scoped3A_54 : memref<!tpu.dma_semaphore, #tpu.memory_space<semaphore_mem>>) src(%arg9 : memref<128x128xf32, #tpu.memory_space<vmem>>) dst(%dma_wait3A_66 : memref<10240x128xf32, #tpu.memory_space<vmem_shared>>)
        tpu.yield
      }) : () -> ()
      %dma_wait3A_46 = arith.constant 39 : i32
      %dma_wait3A_47 = arith.constant 0 : i32
      %dma_wait3A_48 = tpu.memref_slice %arg7[%dma_wait3A_46, %dma_wait3A_47] : memref<40x128xi32, #tpu.memory_space<vmem>> -> memref<1x128xi32, #tpu.memory_space<vmem>>
      %dma_wait3A_49 = tpu.memref_squeeze %dma_wait3A_48 : memref<1x128xi32, #tpu.memory_space<vmem>> -> memref<128xi32, #tpu.memory_space<vmem>>
      %dma_wait3A_50 = arith.constant 0 : i32
      %dma_wait3A_51 = arith.constant 0 : i32
      %dma_wait3A_52 = tpu.memref_slice %arg2[%dma_wait3A_50, %dma_wait3A_51] : memref<10240x128xf32, #tpu.memory_space<hbm>> -> memref<10240x128xf32, #tpu.memory_space<hbm>>
      tpu.wait_indirect_dma semaphore(%arg13 : memref<!tpu.dma_semaphore, #tpu.memory_space<semaphore_mem>>) src(%dma_wait3A_52 : memref<10240x128xf32, #tpu.memory_space<hbm>>) dst(%arg10 : memref<128x128xf32, #tpu.memory_space<vmem>>)
      %run_scoped3A_53 = arith.constant 39 : i32
      "tpu.region"() ({
        %run_scoped3A_54 = tpu.sem_alloc : memref<!tpu.dma_semaphore, #tpu.memory_space<semaphore_mem>>
        %dma_start3A_55 = arith.constant 0 : i32
        %dma_start3A_56 = tpu.memref_slice %arg8[%run_scoped3A_53, %dma_start3A_55] : memref<40x128xi32, #tpu.memory_space<vmem>> -> memref<1x128xi32, #tpu.memory_space<vmem>>
        %dma_start3A_57 = tpu.memref_squeeze %dma_start3A_56 : memref<1x128xi32, #tpu.memory_space<vmem>> -> memref<128xi32, #tpu.memory_space<vmem>>
        %dma_start3A_58 = arith.constant 0 : i32
        %dma_start3A_59 = arith.constant 0 : i32
        %dma_start3A_60 = tpu.memref_slice %arg11[%dma_start3A_58, %dma_start3A_59] : memref<10240x128xf32, #tpu.memory_space<vmem_shared>> -> memref<10240x128xf32, #tpu.memory_space<vmem_shared>>
        tpu.enqueue_indirect_dma source(%arg10 : memref<128x128xf32, #tpu.memory_space<vmem>>) target(%dma_start3A_60 : memref<10240x128xf32, #tpu.memory_space<vmem_shared>>) offsets(%dma_start3A_57 : memref<128xi32, #tpu.memory_space<vmem>>) semaphore(%run_scoped3A_54 : memref<!tpu.dma_semaphore, #tpu.memory_space<semaphore_mem>>) {add = true}
        %dma_wait3A_61 = arith.constant 0 : i32
        %dma_wait3A_62 = tpu.memref_slice %arg8[%run_scoped3A_53, %dma_wait3A_61] : memref<40x128xi32, #tpu.memory_space<vmem>> -> memref<1x128xi32, #tpu.memory_space<vmem>>
        %dma_wait3A_63 = tpu.memref_squeeze %dma_wait3A_62 : memref<1x128xi32, #tpu.memory_space<vmem>> -> memref<128xi32, #tpu.memory_space<vmem>>
        %dma_wait3A_64 = arith.constant 0 : i32
        %dma_wait3A_65 = arith.constant 0 : i32
        %dma_wait3A_66 = tpu.memref_slice %arg11[%dma_wait3A_64, %dma_wait3A_65] : memref<10240x128xf32, #tpu.memory_space<vmem_shared>> -> memref<10240x128xf32, #tpu.memory_space<vmem_shared>>
        tpu.wait_indirect_dma semaphore(%run_scoped3A_54 : memref<!tpu.dma_semaphore, #tpu.memory_space<semaphore_mem>>) src(%arg10 : memref<128x128xf32, #tpu.memory_space<vmem>>) dst(%dma_wait3A_66 : memref<10240x128xf32, #tpu.memory_space<vmem_shared>>)
        tpu.yield
      }) : () -> ()
    }
    %scan3A_8 = arith.constant 2 : i32
    %barrier3A_9 = arith.constant 0 : index
    tpu.barrier barrier_id(%barrier3A_9)
    %mul3A_10 = arith.constant 640 : i32
    %mul3A_11 = arith.muli %arg1, %mul3A_10 : i32
    %mul3A_12 = arith.constant 640 : i32
    %mul3A_13 = arith.muli %arg1, %mul3A_12 : i32
    "tpu.region"() ({
      %run_scoped3A = tpu.sem_alloc : memref<!tpu.dma_semaphore, #tpu.memory_space<semaphore_mem>>
      %dma_start3A = arith.constant 0 : i32
      %dma_start3A_14 = arith.constant 0 : i32
      %dma_start3A_15 = tpu.memref_slice %arg6[%arg0, %dma_start3A, %dma_start3A_14] : memref<2x10240x128xf32, #tpu.memory_space<hbm>> -> memref<1x10240x128xf32, #tpu.memory_space<hbm>>
      %dma_start3A_16 = tpu.memref_squeeze %dma_start3A_15 : memref<1x10240x128xf32, #tpu.memory_space<hbm>> -> memref<10240x128xf32, #tpu.memory_space<hbm>>
      %dma_start3A_17 = arith.constant 0 : i32
      %dma_start3A_18 = tpu.memref_slice %dma_start3A_16[%mul3A_13, %dma_start3A_17] : memref<10240x128xf32, #tpu.memory_space<hbm>> -> memref<640x128xf32, #tpu.memory_space<hbm>>
      %dma_start3A_19 = arith.constant 0 : i32
      %dma_start3A_20 = tpu.memref_slice %arg11[%mul3A_11, %dma_start3A_19] : memref<10240x128xf32, #tpu.memory_space<vmem_shared>> -> memref<640x128xf32, #tpu.memory_space<vmem_shared>>
      tpu.enqueue_dma source(%dma_start3A_20 : memref<640x128xf32, #tpu.memory_space<vmem_shared>>) target(%dma_start3A_18 : memref<640x128xf32, #tpu.memory_space<hbm>>) target_semaphore(%run_scoped3A : memref<!tpu.dma_semaphore, #tpu.memory_space<semaphore_mem>>)
      %dma_wait3A = arith.constant 0 : i32
      %dma_wait3A_21 = arith.constant 0 : i32
      %dma_wait3A_22 = tpu.memref_slice %arg6[%arg0, %dma_wait3A, %dma_wait3A_21] : memref<2x10240x128xf32, #tpu.memory_space<hbm>> -> memref<1x10240x128xf32, #tpu.memory_space<hbm>>
      %dma_wait3A_23 = tpu.memref_squeeze %dma_wait3A_22 : memref<1x10240x128xf32, #tpu.memory_space<hbm>> -> memref<10240x128xf32, #tpu.memory_space<hbm>>
      %dma_wait3A_24 = arith.constant 0 : i32
      %dma_wait3A_25 = tpu.memref_slice %dma_wait3A_23[%mul3A_13, %dma_wait3A_24] : memref<10240x128xf32, #tpu.memory_space<hbm>> -> memref<640x128xf32, #tpu.memory_space<hbm>>
      %dma_wait3A_26 = arith.constant 0 : i32
      %dma_wait3A_27 = tpu.memref_slice %arg11[%mul3A_11, %dma_wait3A_26] : memref<10240x128xf32, #tpu.memory_space<vmem_shared>> -> memref<640x128xf32, #tpu.memory_space<vmem_shared>>
      tpu.wait_dma2 semaphore(%run_scoped3A : memref<!tpu.dma_semaphore, #tpu.memory_space<semaphore_mem>>) src(%dma_wait3A_27 : memref<640x128xf32, #tpu.memory_space<vmem_shared>>) dst(%dma_wait3A_25 : memref<640x128xf32, #tpu.memory_space<hbm>>)
      tpu.yield
    }) : () -> ()
    return
  }
}

module attributes {stable_mosaic.version = 14 : i64} {
  func.func @_mm1_body(%arg0: i32, %arg1: memref<1024x128xf32, #tpu.memory_space<vmem>>, %arg2: memref<128x128xf32, #tpu.memory_space<vmem>>, %arg3: memref<1024x128xf32, #tpu.memory_space<vmem>>) attributes {dimension_semantics = [#tpu.dimension_semantics<arbitrary>], iteration_bounds = array<i64: 10>, scalar_prefetch = 0 : i64, scratch_operands = 0 : i64, tpu.core_type = #tpu.core_type<tc>, window_params = [{transform_indices = @transform_0, window_bounds = array<i64: 1024, 128>}, {pipeline_mode = #tpu.pipeline_mode<synchronous>, transform_indices = @transform_1, window_bounds = array<i64: 128, 128>}, {transform_indices = @transform_2, window_bounds = array<i64: 1024, 128>}]} {
    %get3A = arith.constant 0 : index
    %get3A_0 = arith.constant 0 : index
    %get3A_1 = vector.load %arg1[%get3A, %get3A_0] : memref<1024x128xf32, #tpu.memory_space<vmem>>, vector<1024x128xf32>
    %get3A_2 = arith.constant 0 : index
    %get3A_3 = arith.constant 0 : index
    %get3A_4 = vector.load %arg2[%get3A_2, %get3A_3] : memref<128x128xf32, #tpu.memory_space<vmem>>, vector<128x128xf32>
    %dot_general3A = arith.constant dense<0.000000e+00> : vector<1024x128xf32>
    %dot_general3A_5 = tpu.matmul %get3A_1, %get3A_4, %dot_general3A {dimension_numbers = #tpu.dot_dimension_numbers<[1], [0], [0], [1], [0, 0, 1, 1], [], []>, transpose_lhs_hint = false} : vector<1024x128xf32>, vector<128x128xf32>, vector<1024x128xf32> -> vector<1024x128xf32>
    %swap3A = arith.constant 0 : index
    %swap3A_6 = arith.constant 0 : index
    %swap3A_7 = vector.load %arg3[%swap3A, %swap3A_6] : memref<1024x128xf32, #tpu.memory_space<vmem>>, vector<1024x128xf32>
    tpu.vector_store %arg3[%swap3A, %swap3A_6], %dot_general3A_5 {strides = array<i32>} : memref<1024x128xf32, #tpu.memory_space<vmem>>, vector<1024x128xf32>,
    return
  }
  func.func @transform_0(%arg0: i32) -> (i32, i32) {
    %c0_i32 = arith.constant 0 : i32
    %c0_i32_0 = arith.constant 0 : i32
    return %arg0, %c0_i32 : i32, i32
  }
  func.func @transform_1(%arg0: i32) -> (i32, i32) {
    %c0_i32 = arith.constant 0 : i32
    %c0_i32_0 = arith.constant 0 : i32
    %c0_i32_1 = arith.constant 0 : i32
    return %c0_i32, %c0_i32_0 : i32, i32
  }
  func.func @transform_2(%arg0: i32) -> (i32, i32) {
    %c0_i32 = arith.constant 0 : i32
    %c0_i32_0 = arith.constant 0 : i32
    return %arg0, %c0_i32 : i32, i32
  }
}

module attributes {stable_mosaic.version = 14 : i64} {
  func.func @_scale_body(%arg0: i32, %arg1: memref<2x1024x1xf32, #tpu.memory_space<vmem>>, %arg2: memref<1024x128xf32, #tpu.memory_space<vmem>>, %arg3: memref<1024x128xf32, #tpu.memory_space<vmem>>, %arg4: memref<1024x128xf32, #tpu.memory_space<vmem>>) attributes {dimension_semantics = [#tpu.dimension_semantics<arbitrary>], iteration_bounds = array<i64: 10>, scalar_prefetch = 0 : i64, scratch_operands = 0 : i64, tpu.core_type = #tpu.core_type<tc>, window_params = [{transform_indices = @transform_0, window_bounds = array<i64: 2, 1024, 1>}, {transform_indices = @transform_1, window_bounds = array<i64: 1024, 128>}, {transform_indices = @transform_2, window_bounds = array<i64: 1024, 128>}, {transform_indices = @transform_3, window_bounds = array<i64: 1024, 128>}]} {
    %get3A = arith.constant 0 : index
    %get3A_0 = arith.constant 0 : index
    %get3A_1 = arith.constant 0 : index
    %get3A_2 = vector.load %arg1[%get3A, %get3A_0, %get3A_1] : memref<2x1024x1xf32, #tpu.memory_space<vmem>>, vector<1x1024x1xf32>
    %get3A_3 = vector.shape_cast %get3A_2 : vector<1x1024x1xf32> to vector<1024x1xf32>
    %get3A_4 = arith.constant 1 : index
    %get3A_5 = arith.constant 0 : index
    %get3A_6 = arith.constant 0 : index
    %get3A_7 = vector.load %arg1[%get3A_4, %get3A_5, %get3A_6] : memref<2x1024x1xf32, #tpu.memory_space<vmem>>, vector<1x1024x1xf32>
    %get3A_8 = vector.shape_cast %get3A_7 : vector<1x1024x1xf32> to vector<1024x1xf32>
    %add3A = arith.addf %get3A_3, %get3A_8 : vector<1024x1xf32>
    %add3A_9 = arith.constant 1.000000e+00 : f32
    %add3A_10 = vector.broadcast %add3A_9 : f32 to vector<1024x1xf32>
    %add3A_11 = arith.addf %add3A_10, %add3A : vector<1024x1xf32>
    %rsqrt3A = math.rsqrt %add3A_11 : vector<1024x1xf32>
    %get3A_12 = arith.constant 0 : index
    %get3A_13 = arith.constant 0 : index
    %get3A_14 = vector.load %arg2[%get3A_12, %get3A_13] : memref<1024x128xf32, #tpu.memory_space<vmem>>, vector<1024x128xf32>
    %mul3A = vector.broadcast %rsqrt3A : vector<1024x1xf32> to vector<1024x128xf32>
    %mul3A_15 = arith.mulf %get3A_14, %mul3A : vector<1024x128xf32>
    %swap3A = arith.constant 0 : index
    %swap3A_16 = arith.constant 0 : index
    %swap3A_17 = vector.load %arg3[%swap3A, %swap3A_16] : memref<1024x128xf32, #tpu.memory_space<vmem>>, vector<1024x128xf32>
    tpu.vector_store %arg3[%swap3A, %swap3A_16], %mul3A_15 {strides = array<i32>} : memref<1024x128xf32, #tpu.memory_space<vmem>>, vector<1024x128xf32>,
    %broadcast_in_dim3A = vector.shape_cast %rsqrt3A : vector<1024x1xf32> to vector<1024x1xf32>
    %broadcast_in_dim3A_18 = vector.broadcast %broadcast_in_dim3A : vector<1024x1xf32> to vector<1024x128xf32>
    %swap3A_19 = arith.constant 0 : index
    %swap3A_20 = arith.constant 0 : index
    %swap3A_21 = vector.load %arg4[%swap3A_19, %swap3A_20] : memref<1024x128xf32, #tpu.memory_space<vmem>>, vector<1024x128xf32>
    tpu.vector_store %arg4[%swap3A_19, %swap3A_20], %broadcast_in_dim3A_18 {strides = array<i32>} : memref<1024x128xf32, #tpu.memory_space<vmem>>, vector<1024x128xf32>,
    return
  }
  func.func @transform_0(%arg0: i32) -> (i32, i32, i32) {
    %c0_i32 = arith.constant 0 : i32
    %c0_i32_0 = arith.constant 0 : i32
    %c0_i32_1 = arith.constant 0 : i32
    return %c0_i32, %arg0, %c0_i32_0 : i32, i32, i32
  }
  func.func @transform_1(%arg0: i32) -> (i32, i32) {
    %c0_i32 = arith.constant 0 : i32
    %c0_i32_0 = arith.constant 0 : i32
    return %arg0, %c0_i32 : i32, i32
  }
  func.func @transform_2(%arg0: i32) -> (i32, i32) {
    %c0_i32 = arith.constant 0 : i32
    %c0_i32_0 = arith.constant 0 : i32
    return %arg0, %c0_i32 : i32, i32
  }
  func.func @transform_3(%arg0: i32) -> (i32, i32) {
    %c0_i32 = arith.constant 0 : i32
    %c0_i32_0 = arith.constant 0 : i32
    return %arg0, %c0_i32 : i32, i32
  }
}

module attributes {stable_mosaic.version = 14 : i64} {
  func.func @_layer_body(%arg0: i32, %arg1: memref<2x1024x128xf32, #tpu.memory_space<vmem>>, %arg2: memref<1024x128xf32, #tpu.memory_space<vmem>>, %arg3: memref<1024x128xf32, #tpu.memory_space<vmem>>, %arg4: memref<1x128xf32, #tpu.memory_space<vmem>>, %arg5: memref<128x128xf32, #tpu.memory_space<vmem>>, %arg6: memref<1024x128xf32, #tpu.memory_space<vmem>>) attributes {dimension_semantics = [#tpu.dimension_semantics<arbitrary>], iteration_bounds = array<i64: 10>, scalar_prefetch = 0 : i64, scratch_operands = 0 : i64, tpu.core_type = #tpu.core_type<tc>, window_params = [{transform_indices = @transform_0, window_bounds = array<i64: 2, 1024, 128>}, {transform_indices = @transform_1, window_bounds = array<i64: 1024, 128>}, {transform_indices = @transform_2, window_bounds = array<i64: 1024, 128>}, {pipeline_mode = #tpu.pipeline_mode<synchronous>, transform_indices = @transform_3, window_bounds = array<i64: 1, 128>}, {pipeline_mode = #tpu.pipeline_mode<synchronous>, transform_indices = @transform_4, window_bounds = array<i64: 128, 128>}, {transform_indices = @transform_5, window_bounds = array<i64: 1024, 128>}]} {
    %get3A = arith.constant 0 : index
    %get3A_0 = arith.constant 0 : index
    %get3A_1 = vector.load %arg3[%get3A, %get3A_0] : memref<1024x128xf32, #tpu.memory_space<vmem>>, vector<1024x128xf32>
    %get3A_2 = arith.constant 0 : index
    %get3A_3 = arith.constant 0 : index
    %get3A_4 = arith.constant 0 : index
    %get3A_5 = vector.load %arg1[%get3A_2, %get3A_3, %get3A_4] : memref<2x1024x128xf32, #tpu.memory_space<vmem>>, vector<1x1024x128xf32>
    %get3A_6 = vector.shape_cast %get3A_5 : vector<1x1024x128xf32> to vector<1024x128xf32>
    %get3A_7 = arith.constant 1 : index
    %get3A_8 = arith.constant 0 : index
    %get3A_9 = arith.constant 0 : index
    %get3A_10 = vector.load %arg1[%get3A_7, %get3A_8, %get3A_9] : memref<2x1024x128xf32, #tpu.memory_space<vmem>>, vector<1x1024x128xf32>
    %get3A_11 = vector.shape_cast %get3A_10 : vector<1x1024x128xf32> to vector<1024x128xf32>
    %add3A = arith.addf %get3A_6, %get3A_11 : vector<1024x128xf32>
    %get3A_12 = arith.constant 0 : index
    %get3A_13 = arith.constant 0 : index
    %get3A_14 = vector.load %arg2[%get3A_12, %get3A_13] : memref<1024x128xf32, #tpu.memory_space<vmem>>, vector<1024x128xf32>
    %add3A_15 = arith.addf %add3A, %get3A_14 : vector<1024x128xf32>
    %mul3A = arith.mulf %add3A_15, %get3A_1 : vector<1024x128xf32>
    %get3A_16 = arith.constant 0 : index
    %get3A_17 = arith.constant 0 : index
    %get3A_18 = vector.load %arg4[%get3A_16, %get3A_17] : memref<1x128xf32, #tpu.memory_space<vmem>>, vector<1x128xf32>
    %add3A_19 = vector.broadcast %get3A_18 : vector<1x128xf32> to vector<1024x128xf32>
    %add3A_20 = arith.addf %mul3A, %add3A_19 : vector<1024x128xf32>
    %max3A = arith.constant 0.000000e+00 : f32
    %max3A_21 = vector.broadcast %max3A : f32 to vector<1024x128xf32>
    %max3A_22 = arith.maximumf %add3A_20, %max3A_21 : vector<1024x128xf32>
    %get3A_23 = arith.constant 0 : index
    %get3A_24 = arith.constant 0 : index
    %get3A_25 = vector.load %arg5[%get3A_23, %get3A_24] : memref<128x128xf32, #tpu.memory_space<vmem>>, vector<128x128xf32>
    %dot_general3A = arith.constant dense<0.000000e+00> : vector<1024x128xf32>
    %dot_general3A_26 = tpu.matmul %max3A_22, %get3A_25, %dot_general3A {dimension_numbers = #tpu.dot_dimension_numbers<[1], [0], [0], [1], [0, 0, 1, 1], [], []>, transpose_lhs_hint = false} : vector<1024x128xf32>, vector<128x128xf32>, vector<1024x128xf32> -> vector<1024x128xf32>
    %mul3A_27 = arith.mulf %dot_general3A_26, %get3A_1 : vector<1024x128xf32>
    %swap3A = arith.constant 0 : index
    %swap3A_28 = arith.constant 0 : index
    %swap3A_29 = vector.load %arg6[%swap3A, %swap3A_28] : memref<1024x128xf32, #tpu.memory_space<vmem>>, vector<1024x128xf32>
    tpu.vector_store %arg6[%swap3A, %swap3A_28], %mul3A_27 {strides = array<i32>} : memref<1024x128xf32, #tpu.memory_space<vmem>>, vector<1024x128xf32>,
    return
  }
  func.func @transform_0(%arg0: i32) -> (i32, i32, i32) {
    %c0_i32 = arith.constant 0 : i32
    %c0_i32_0 = arith.constant 0 : i32
    %c0_i32_1 = arith.constant 0 : i32
    return %c0_i32, %arg0, %c0_i32_0 : i32, i32, i32
  }
  func.func @transform_1(%arg0: i32) -> (i32, i32) {
    %c0_i32 = arith.constant 0 : i32
    %c0_i32_0 = arith.constant 0 : i32
    return %arg0, %c0_i32 : i32, i32
  }
  func.func @transform_2(%arg0: i32) -> (i32, i32) {
    %c0_i32 = arith.constant 0 : i32
    %c0_i32_0 = arith.constant 0 : i32
    return %arg0, %c0_i32 : i32, i32
  }
  func.func @transform_3(%arg0: i32) -> (i32, i32) {
    %c0_i32 = arith.constant 0 : i32
    %c0_i32_0 = arith.constant 0 : i32
    %c0_i32_1 = arith.constant 0 : i32
    return %c0_i32, %c0_i32_0 : i32, i32
  }
  func.func @transform_4(%arg0: i32) -> (i32, i32) {
    %c0_i32 = arith.constant 0 : i32
    %c0_i32_0 = arith.constant 0 : i32
    %c0_i32_1 = arith.constant 0 : i32
    return %c0_i32, %c0_i32_0 : i32, i32
  }
  func.func @transform_5(%arg0: i32) -> (i32, i32) {
    %c0_i32 = arith.constant 0 : i32
    %c0_i32_0 = arith.constant 0 : i32
    return %arg0, %c0_i32 : i32, i32
  }
}

module attributes {stable_mosaic.version = 14 : i64} {
  func.func @_final_body(%arg0: i32, %arg1: memref<2x1024x128xf32, #tpu.memory_space<vmem>>, %arg2: memref<1024x128xf32, #tpu.memory_space<vmem>>, %arg3: memref<1024x128xf32, #tpu.memory_space<vmem>>, %arg4: memref<1x128xf32, #tpu.memory_space<vmem>>, %arg5: memref<128x128xf32, #tpu.memory_space<vmem>>, %arg6: memref<1x128xf32, #tpu.memory_space<vmem>>, %arg7: memref<1024x128xf32, #tpu.memory_space<vmem>>) attributes {dimension_semantics = [#tpu.dimension_semantics<arbitrary>], iteration_bounds = array<i64: 10>, scalar_prefetch = 0 : i64, scratch_operands = 0 : i64, tpu.core_type = #tpu.core_type<tc>, window_params = [{transform_indices = @transform_0, window_bounds = array<i64: 2, 1024, 128>}, {transform_indices = @transform_1, window_bounds = array<i64: 1024, 128>}, {transform_indices = @transform_2, window_bounds = array<i64: 1024, 128>}, {pipeline_mode = #tpu.pipeline_mode<synchronous>, transform_indices = @transform_3, window_bounds = array<i64: 1, 128>}, {pipeline_mode = #tpu.pipeline_mode<synchronous>, transform_indices = @transform_4, window_bounds = array<i64: 128, 128>}, {pipeline_mode = #tpu.pipeline_mode<synchronous>, transform_indices = @transform_5, window_bounds = array<i64: 1, 128>}, {transform_indices = @transform_6, window_bounds = array<i64: 1024, 128>}]} {
    %get3A = arith.constant 0 : index
    %get3A_0 = arith.constant 0 : index
    %get3A_1 = arith.constant 0 : index
    %get3A_2 = vector.load %arg1[%get3A, %get3A_0, %get3A_1] : memref<2x1024x128xf32, #tpu.memory_space<vmem>>, vector<1x1024x128xf32>
    %get3A_3 = vector.shape_cast %get3A_2 : vector<1x1024x128xf32> to vector<1024x128xf32>
    %get3A_4 = arith.constant 1 : index
    %get3A_5 = arith.constant 0 : index
    %get3A_6 = arith.constant 0 : index
    %get3A_7 = vector.load %arg1[%get3A_4, %get3A_5, %get3A_6] : memref<2x1024x128xf32, #tpu.memory_space<vmem>>, vector<1x1024x128xf32>
    %get3A_8 = vector.shape_cast %get3A_7 : vector<1x1024x128xf32> to vector<1024x128xf32>
    %add3A = arith.addf %get3A_3, %get3A_8 : vector<1024x128xf32>
    %get3A_9 = arith.constant 0 : index
    %get3A_10 = arith.constant 0 : index
    %get3A_11 = vector.load %arg2[%get3A_9, %get3A_10] : memref<1024x128xf32, #tpu.memory_space<vmem>>, vector<1024x128xf32>
    %add3A_12 = arith.addf %add3A, %get3A_11 : vector<1024x128xf32>
    %get3A_13 = arith.constant 0 : index
    %get3A_14 = arith.constant 0 : index
    %get3A_15 = vector.load %arg3[%get3A_13, %get3A_14] : memref<1024x128xf32, #tpu.memory_space<vmem>>, vector<1024x128xf32>
    %mul3A = arith.mulf %add3A_12, %get3A_15 : vector<1024x128xf32>
    %get3A_16 = arith.constant 0 : index
    %get3A_17 = arith.constant 0 : index
    %get3A_18 = vector.load %arg4[%get3A_16, %get3A_17] : memref<1x128xf32, #tpu.memory_space<vmem>>, vector<1x128xf32>
    %add3A_19 = vector.broadcast %get3A_18 : vector<1x128xf32> to vector<1024x128xf32>
    %add3A_20 = arith.addf %mul3A, %add3A_19 : vector<1024x128xf32>
    %max3A = arith.constant 0.000000e+00 : f32
    %max3A_21 = vector.broadcast %max3A : f32 to vector<1024x128xf32>
    %max3A_22 = arith.maximumf %add3A_20, %max3A_21 : vector<1024x128xf32>
    %get3A_23 = arith.constant 0 : index
    %get3A_24 = arith.constant 0 : index
    %get3A_25 = vector.load %arg5[%get3A_23, %get3A_24] : memref<128x128xf32, #tpu.memory_space<vmem>>, vector<128x128xf32>
    %dot_general3A = arith.constant dense<0.000000e+00> : vector<1024x128xf32>
    %dot_general3A_26 = tpu.matmul %max3A_22, %get3A_25, %dot_general3A {dimension_numbers = #tpu.dot_dimension_numbers<[1], [0], [0], [1], [0, 0, 1, 1], [], []>, transpose_lhs_hint = false} : vector<1024x128xf32>, vector<128x128xf32>, vector<1024x128xf32> -> vector<1024x128xf32>
    %get3A_27 = arith.constant 0 : index
    %get3A_28 = arith.constant 0 : index
    %get3A_29 = vector.load %arg6[%get3A_27, %get3A_28] : memref<1x128xf32, #tpu.memory_space<vmem>>, vector<1x128xf32>
    %add3A_30 = vector.broadcast %get3A_29 : vector<1x128xf32> to vector<1024x128xf32>
    %add3A_31 = arith.addf %dot_general3A_26, %add3A_30 : vector<1024x128xf32>
    %swap3A = arith.constant 0 : index
    %swap3A_32 = arith.constant 0 : index
    %swap3A_33 = vector.load %arg7[%swap3A, %swap3A_32] : memref<1024x128xf32, #tpu.memory_space<vmem>>, vector<1024x128xf32>
    tpu.vector_store %arg7[%swap3A, %swap3A_32], %add3A_31 {strides = array<i32>} : memref<1024x128xf32, #tpu.memory_space<vmem>>, vector<1024x128xf32>,
    return
  }
  func.func @transform_0(%arg0: i32) -> (i32, i32, i32) {
    %c0_i32 = arith.constant 0 : i32
    %c0_i32_0 = arith.constant 0 : i32
    %c0_i32_1 = arith.constant 0 : i32
    return %c0_i32, %arg0, %c0_i32_0 : i32, i32, i32
  }
  func.func @transform_1(%arg0: i32) -> (i32, i32) {
    %c0_i32 = arith.constant 0 : i32
    %c0_i32_0 = arith.constant 0 : i32
    return %arg0, %c0_i32 : i32, i32
  }
  func.func @transform_2(%arg0: i32) -> (i32, i32) {
    %c0_i32 = arith.constant 0 : i32
    %c0_i32_0 = arith.constant 0 : i32
    return %arg0, %c0_i32 : i32, i32
  }
  func.func @transform_3(%arg0: i32) -> (i32, i32) {
    %c0_i32 = arith.constant 0 : i32
    %c0_i32_0 = arith.constant 0 : i32
    %c0_i32_1 = arith.constant 0 : i32
    return %c0_i32, %c0_i32_0 : i32, i32
  }
  func.func @transform_4(%arg0: i32) -> (i32, i32) {
    %c0_i32 = arith.constant 0 : i32
    %c0_i32_0 = arith.constant 0 : i32
    %c0_i32_1 = arith.constant 0 : i32
    return %c0_i32, %c0_i32_0 : i32, i32
  }
  func.func @transform_5(%arg0: i32) -> (i32, i32) {
    %c0_i32 = arith.constant 0 : i32
    %c0_i32_0 = arith.constant 0 : i32
    %c0_i32_1 = arith.constant 0 : i32
    return %c0_i32, %c0_i32_0 : i32, i32
  }
  func.func @transform_6(%arg0: i32) -> (i32, i32) {
    %c0_i32 = arith.constant 0 : i32
    %c0_i32_0 = arith.constant 0 : i32
    return %arg0, %c0_i32 : i32, i32
  }
}

</mosaic_0001>

<sc_bundles>
// kernel: kernel.12.cloned.1.call-start
scs
__scs_entry_jumppad:
0x0: {  	(pc) =	sbr.rel $0x88, $3  }
0x1: {  	(tag) =	ssettag $0x0;
	lr =	simm.s32 $0x1  }
0x2: {  	[smem:$0x3F99] =	sst lr;
	_ =	strace $0xD0000000  }
0x3: {  	_ = 	snop  }
0x4: {  	_ = 	snop  }
0x5: {  	_ = 	snop  }
0x6: {  	_ = 	snop  }
0x7: {  	_ = 	snop  }
__scs_overlays_trampoline_lowered:
0x8: {  	[smem:$0x3FA8] =	sst s0  }
0x9: {  	[smem:$0x3FA9] =	sst s1  }
0xa: {  	[smem:$0x3FAA] =	sst s2  }
0xb: {  	[smem:$0x3FAB] =	sst s3  }
0xc: {  	[smem:$0x3FAC] =	sst s4  }
0xd: {  	[smem:$0x3FAD] =	sst s5  }
0xe: {  	[smem:$0x3FAE] =	sst s6  }
0xf: {  	[smem:$0x3FAF] =	sst s7  }
0x10: {  	[smem:$0x3FB0] =	sst s8  }
0x11: {  	[smem:$0x3FB1] =	sst s9;
	s0 =	simm.s32 @!p0 $0x0  }
0x12: {  	s1 =	sld [smem:$0x3F97];
	s0 =	simm.s32 @p0 $0x1  }
0x13: {  	[smem:$0x3FB2] =	sst s0;
	s0 =	simm.s32 @!p1 $0x0  }
0x14: {  	s2 =	sld [smem:$0x3F96];
	s0 =	simm.s32 @p1 $0x1  }
0x15: {  	[smem:$0x3FB3] =	sst s0;
	s0 =	simm.s32 @!p2 $0x0  }
0x16: {  	s3 =	sld [smem:$0x3FDB];
	s0 =	simm.s32 @p2 $0x1  }
0x17: {  	s4 =	simm.s32 $0x1BF5;
	[smem:$0x3FB5] =	sst s0  }
0x18: {  	s0 =	sld [smem:$0x3F98];
	_ =	swait.ge [sflag:s4], $0x0  }
0x19: {  	s7 =	sld [smem:$0x3F99]  }
0x1a: {  	s8 =	sadd.s32 $0xFFFFE003, lr  }
0x1b: {  	s9 =	sadd.s32 $0xFFFFFEF7, lr;
	s5 =	simm.s32 $0xFFFFFFFF;
	p2 =	slt.u32 s8, $0xFFFFF086  }
0x1c: {  	p1 =	slt.u32 s9, $0xF7A;
	s5 =	simm.s32 @!p2 $0x0  }
0x1d: {  	s5 =	simm.s32 @p1 $0x1;
	p0 =	seq.s32 s7, s2  }
0x1e: {  	s7 =	smul.u32 @!p0 $0xF7A, s2;
	p2 =	seq.s32 @!p0 s5, $0x0  }
0x1f: {  	s9 =	smul.u32 $0xF7A, s1;
	s8 =	simm.s32 @!p0 $0x1BF5;
	p2 =	por !p2, p0  }
0x20: {  	[sflag:s8] =	ssyncset.s32 @!p0 $0xFFFFF086;
	s6 =	sadd.s32 @!p0 s3, s7;
	s7 =	simm.s32 @!p0 $0x108  }
0x21: {  	s3 =	sadd.s32 s3, s9;
	s6 =	sadd.s32 @!p0 $0x88, s6;
	s7 =	simm.s32 @p2 $0x1082  }
0x22: {  	[simem:s7], [sflag:s8] =	dma.local @!p0 [hbm:s6], $0xF7A  }
0x23: {  	s9 =	sor.u32 $0xD0000000, s2;
	s6 =	simm.s32 $0x108;
	_ =	swait.ge @!p0 [sflag:s8], $0x0  }
0x24: {  	s3 =	sadd.s32 $0x88, s3;
	s6 =	simm.s32 @!p1 $0x1082;
	[sflag:s4] =	ssyncset.s32 $0xFFFFF086  }
0x25: {  	[simem:s6], [sflag:s4] =	dma.local [hbm:s3], $0xF7A  }
0x26: {  	[smem:$0x3F99] =	sst s1;
	(tag) =	ssettag s2;
	_ =	strace s9  }
0x27: {  	s1 =	sld [smem:$0x3FA9]  }
0x28: {  	s2 =	sld [smem:$0x3FAA]  }
0x29: {  	s4 =	sld [smem:$0x3FAC]  }
0x2a: {  	p0 =	seq.s32 s5, $0x0;
	s5 =	sld [smem:$0x3FAD]  }
0x2b: {  	s6 =	sld [smem:$0x3FAE]  }
0x2c: {  	s7 =	sld [smem:$0x3FAF]  }
0x2d: {  	s3 =	simm.s32 $0x108;
	s8 =	sld [smem:$0x3FB0]  }
0x2e: {  	s3 =	simm.s32 @!p0 $0x1082;
	s9 =	sld [smem:$0x3FB1]  }
0x2f: {  	lr =	sadd.s32 s0, s3;
	s0 =	sld [smem:$0x3FA8]  }
0x30: {  	s3 =	sld [smem:$0x3FAB]  }
0x31: {  	[smem:$0x3FB4] =	sst s10  }
0x32: {  	s10 =	sld [smem:$0x3FB2];
	_ =	sdelay $0x3  }
0x33: {  	p0 =	seq.s32 s10, $0x1;
	s10 =	sld [smem:$0x3FB4];
	_ =	sdelay $0x3  }
0x34: {  	[smem:$0x3FB4] =	sst s10  }
0x35: {  	s10 =	sld [smem:$0x3FB3];
	_ =	sdelay $0x3  }
0x36: {  	p1 =	seq.s32 s10, $0x1;
	s10 =	sld [smem:$0x3FB4];
	_ =	sdelay $0x3  }
0x37: {  	[smem:$0x3FB4] =	sst s10  }
0x38: {  	s10 =	sld [smem:$0x3FB5]  }
0x39: {  	_ = 	snop;
	(pc) =	sbr.ind lr, $3  }
0x3a: {  	_ = 	snop  }
0x3b: {  	_ = 	snop  }
0x3c: {  	p2 =	seq.s32 s10, $0x1;
	s10 =	sld [smem:$0x3FB4]  }
0x3d: {  	_ =	shalt  }
0x3e: {  	_ =	shalt  }
0x3f: {  	_ =	shalt  }
0x40: {  	_ =	shalt  }
0x41: {  	_ =	shalt  }
0x42: {  	_ =	shalt  }
0x43: {  	_ =	shalt  }
0x44: {  	_ =	shalt  }
0x45: {  	_ =	shalt  }
0x46: {  	_ =	shalt  }
0x47: {  	_ =	shalt  }
0x48: {  	_ =	shalt  }
0x49: {  	_ =	shalt  }
0x4a: {  	_ =	shalt  }
0x4b: {  	_ =	shalt  }
0x4c: {  	_ =	shalt  }
0x4d: {  	_ =	shalt  }
0x4e: {  	_ =	shalt  }
0x4f: {  	_ =	shalt  }
0x50: {  	_ =	shalt  }
0x51: {  	_ =	shalt  }
0x52: {  	_ =	shalt  }
0x53: {  	_ =	shalt  }
0x54: {  	_ =	shalt  }
0x55: {  	_ =	shalt  }
0x56: {  	_ =	shalt  }
0x57: {  	_ =	shalt  }
0x58: {  	_ =	shalt  }
0x59: {  	_ =	shalt  }
0x5a: {  	_ =	shalt  }
0x5b: {  	_ =	shalt  }
0x5c: {  	_ =	shalt  }
0x5d: {  	_ =	shalt  }
0x5e: {  	_ =	shalt  }
0x5f: {  	_ =	shalt  }
0x60: {  	_ =	shalt  }
0x61: {  	_ =	shalt  }
0x62: {  	_ =	shalt  }
0x63: {  	_ =	shalt  }
0x64: {  	_ =	shalt  }
0x65: {  	_ =	shalt  }
0x66: {  	_ =	shalt  }
0x67: {  	_ =	shalt  }
0x68: {  	_ =	shalt  }
0x69: {  	_ =	shalt  }
0x6a: {  	_ =	shalt  }
0x6b: {  	_ =	shalt  }
0x6c: {  	_ =	shalt  }
0x6d: {  	_ =	shalt  }
0x6e: {  	_ =	shalt  }
0x6f: {  	_ =	shalt  }
0x70: {  	_ =	shalt  }
0x71: {  	_ =	shalt  }
0x72: {  	_ =	shalt  }
0x73: {  	_ =	shalt  }
0x74: {  	_ =	shalt  }
0x75: {  	_ =	shalt  }
0x76: {  	_ =	shalt  }
0x77: {  	_ =	shalt  }
0x78: {  	_ =	shalt  }
0x79: {  	_ =	shalt  }
0x7a: {  	_ =	shalt  }
0x7b: {  	_ =	shalt  }
0x7c: {  	_ =	shalt  }
0x7d: {  	_ =	shalt  }
0x7e: {  	_ =	shalt  }
0x7f: {  	_ =	shalt  }
0x80: {  	_ =	shalt  }
0x81: {  	_ =	shalt  }
0x82: {  	_ =	shalt  }
0x83: {  	_ =	shalt  }
0x84: {  	_ =	shalt  }
0x85: {  	_ =	shalt  }
0x86: {  	_ =	shalt  }
0x87: {  	_ =	shalt  }
.Lfunc_end0:
.L_simem_size_0:
called_computation.1_lowered:
.L_overlay_start_0:
0x88: {  	s2 =	sld [smem:$0x3FD9]  }
0x89: {  	s3 =	sld [smem:$0x3FFE];
	_ =	sdelay $0x1  }
0x8a: {  	s1 =	srdreg.scid  }
0x8b: {  	s0 =	sand.u32 $0x1, s1  }
0x8c: {  	s17 =	sshll.u32 s0, $0xA;
	s2 =	sadd.s32 s3, s2  }
0x8d: {  	s2 =	sadd.s32 s2, s17  }
0x8e: {  	[smem:$0x3FC0] =	sst s2  }
0x8f: {  	_ = 	snop  }
0x90: {  	s2 =	sld [smem:$0x3FD0];
	(tm) =	ssettm $0x1  }
0x91: {  	s18 =	sld [smem:$0x3FFB];
	_ =	sdelay $0x3  }
0x92: {  	_ =	strace s18  }
0x93: {  	s3 =	sld [smem:$0x3FFC];
	_ =	sdelay $0x3  }
0x94: {  	_ =	strace s3  }
0x95: {  	s3 =	sld [smem:$0x3FFD];
	_ =	sdelay $0x3  }
0x96: {  	_ =	strace s3  }
0x97: {  	_ =	strace $0x8FFFFFFF  }
0x98: {  	s19 =	sld [smem:$0x3FDB];
	_ =	sdelay $0x1  }
0x99: {  	s4 =	simm.s32 $_scs_section_size  }
0x9a: {  	s5 =	simm.s32 $_size__tile_overlayer_lowered;
	s6 =	simm.s32 $_tile_overlayer_lowered  }
0x9b: {  	s22 =	simm.s32 $0x1BFF;
	s21 =	sshll.u32 s6, $0x1;
	s3 =	sadd.s32 s4, s19  }
0x9c: {  	s7 =	simm.s32 $0x0;
	s20 =	sshll.u32 s5, $0x1;
	s5 =	sadd.s32 s21, s3  }
0x9d: {  	[timem:s7], [sflag:s22] =	dma.local [hbm:s5], s20  }
0x9e: {  	_ =	swait.ge [sflag:s22], s20  }
0x9f: {  	s4 =	ssub.s32 $0x0, s20;
	[sflag:s22] =	ssyncset.done $0x0  }
0xa0: {  	[sflag:s22] =	ssyncadd.s32 s4;
	_ =	sdelay $0x1  }
0xa1: {  	s23 =	simm.s32 $0x1B8B  }
0xa2: {  	_ =	swait.ge [sflag:s23], $0x1  }
0xa3: {  	[sflag:s23] =	ssyncset.done $0x0  }
0xa4: {  	s25 =	simm.s32 $0x1B8E;
	s24 =	sld [smem:$0x3FFE];
	[sflag:s23] =	ssyncadd.s32 $0xFFFFFFFF  }
0xa5: {  	s26 =	simm.s32 $execute0_lowered;
	[smem:$0x3FD2] =	sst s25  }
0xa6: {  	s5 =	sshll.u32 s26, $0x1;
	_ =	strace $0x80000049;
	[dreg:$0x1] =	wrdreg $0xFFFFFFFF  }
0xa7: {  	s28 =	simm.s32 $_size_execute0_lowered;
	s3 =	sadd.s32 s3, s5;
	[dreg:$0x0] =	wrdreg $0x0  }
0xa8: {  	s5 =	sshll.u32 s28, $0x1;
	[dreg:$0x2] =	wrdreg s3  }
0xa9: {  	[dreg:$0x3] =	wrdreg s5  }
0xaa: {  	[dreg:$0x4] =	wrdreg $0xC0  }
0xab: {  	_ =	task [dreg:s7], $0x5FFFF  }
0xac: {  	[dreg:$0x1] =	wrdreg $0xFFFFFFFF  }
0xad: {  	[dreg:$0x0] =	wrdreg $0x60  }
0xae: {  	[dreg:$0x2] =	wrdreg s24  }
0xaf: {  	[dreg:$0x3] =	wrdreg s2  }
0xb0: {  	[dreg:$0x4] =	wrdreg $0xA8000  }
0xb1: {  	[dreg:$0x5] =	wrdreg $0x9  }
0xb2: {  	_ =	task.clear_ibuf [dreg:s7], $0x6FFFF;
	_ =	strace $0x90000049  }
0xb3: {  	s29 =	simm.s32 $0x9;
	_ =	strace $0x8000004B  }
0xb4: {  	_ =	swait.ge [sflag:s29], $0x1  }
0xb5: {  	[sflag:s29] =	ssyncadd.s32 $0xFFFFFFFF  }
0xb6: {  	_ =	strace $0x9000004B  }
0xb7: {  	_ =	sfence  }
0xb8: {  	s30 =	sld [smem:$0x0];
	_ =	sdelay $0x2  }
0xb9: {  	s31 =	sshll.u32 s1, $0xD;
	s1 =	sshrl.u32 s1, $0x2  }
0xba: {  	s3 =	sand.u32 $0x4000, s31;
	s1 =	sadd.s32 s1, s30  }
0xbb: {  	s0 =	sor.u32 s3, s0;
	s1 =	sshll.u32 s1, $0x11  }
0xbc: {  	s0 =	sor.u32 s1, s0  }
0xbd: {  	s0 =	sadd.s32 $0x8F2B, s0  }
0xbe: {  	[sflag:s0] =	ssyncadd.remote.s32 $0x1  }
0xbf: {  	_ =	sfence.sel $0xFFFF  }
0xc0: {  	[dreg:$0x0] =	wrdreg $0xFFFFFFFF;
	(pc) =	sbr.abs _section_cstart, $3  }
0xc1: {  	[dreg:$0x1] =	wrdreg $0xFFFFFFFF  }
0xc2: {  	_ =	task.clear_ibuf [dreg:s7], $0x2FFFF;
	_ =	strace $0x9FFFFFFF  }
0xc3: {  	(tm) =	ssettm $0x7FFFFFFF  }
tec
execute0_lowered:
.L_overlay_start_1:
0x0: {  	(tag) =	ssettag $0x1  }
0x1: {  	s6 =	rddreg [dreg:$0x0]  }
0x2: {  	s10 =	rddreg [dreg:$0x1]  }
0x3: {  	s1 =	rddreg [dreg:$0x2]  }
0x4: {  	s0 =	rddreg [dreg:$0x3];
	s2 =	simm.s32 $0x0  }
0x5: {  	s3 =	srdreg.scid;
	s14 =	simm.s32 $0x1400;
	s15 =	simm.s32 $0x80  }
0x6: {  	s16 =	simm.s32 $0x2800;
	s17 =	simm.s32 $0x6800;
	s18 =	simm.s32 $0x1  }
0x7: {  	s19 =	simm.s32 $0x2;
	s20 =	simm.s32 $0x1380;
	s21 =	simm.s32 $0x2700  }
0x8: {  	s22 =	simm.s32 $0x2780;
	[smem:$0x7FF] =	sst s2;
	s4 =	sadd.s32 $0xCA00, s6  }
0x9: {  	s11 =	sadd.s32 $0x2A00, s6;
	s7 =	sand.u32 $0x1, s3;
	s3 =	stileid.u32  }
0xa: {  	s5 =	sadd.s32 $0x34A00, s6;
	_ =	strace $0x8000004A;
	s8 =	smul.u32 $0x28000, s7  }
0xb: {  	s9 =	ssub.s32 $0x2, s7;
	s13 =	smul.u32 $0x50000, s3;
	s28 =	sshll.u32 s7, $0x4  }
0xc: {  	s30 =	sshll.u32 s3, $0x6;
	s24 =	smul.u32 $0x2800, s3;
	s12 =	sshrl.u32 s9, $0x1  }
0xd: {  	s7 =	sor.u32 s3, s28;
	s8 =	sadd.s32 s8, s6;
	s9 =	ssub.s32 s9, s12  }
0xe: {  	s29 =	sshrl.u32 s13, $0x2;
	s6 =	sor.u32 $0x1C03, s30;
	s31 =	smul.u32 $0x500, s7  }
0xf: {  	s13 =	sadd.s32 s29, s1;
	s23 =	sadd.s32 $0x37200, s8;
	s7 =	smax.u32 s9, $0x1  }
0x10: {  	s8 =	sadd.s32 s10, s31;
	s9 =	sadd.s32 s11, s31;
	s12 =	sadd.s32 $0x280, s31  }
0x11: {  	s23 =	sadd.s32 s24, s23;
	s24 =	simm.s32 $0x0;
	s10 =	sadd.s32 s10, s12  }
0x12: {  	s11 =	sadd.s32 s11, s12;
	s12 =	sshrl.u32 s13, $0x3;
	s13 =	simm.s32 $0x3  }
.LBB2_1:
0x13: {  	[spmem:s12], [sflag:s6] =	dma.local [hbm:s5], $0x2800  }
0x14: {  	_ =	swait.ge [sflag:s13], $0x2800  }
0x15: {  	[sflag:s13] =	ssyncset.done $0x0  }
0x16: {  	[sflag:s13] =	ssyncadd.s32 $0xFFFFD800  }
0x17: {  	[bflag:$0x0] =	sbarrier.arrive $0xFFFF  }
0x18: {  	[tilespmem:s2], [sflag:$0x3] =	stream.linear.gather [hbm4b:s8+s2], $0x1400, $0x38;
	[tilespmem:$0x1E800] =	vst v63  }
0x19: {  	_ =	swait.ge [sflag:s13], $0x1400  }
0x1a: {  	[sflag:s13] =	ssyncset.done $0x0  }
0x1b: {  	[sflag:s13] =	ssyncadd.s32 $0xFFFFEC00  }
0x1c: {  	[tilespmem:s14], [sflag:$0x3] =	stream.linear.gather [hbm4b:s9+s2], $0x1400, $0x38;
	[tilespmem:$0x1E800] =	vst v63  }
0x1d: {  	_ =	swait.ge [sflag:s13], $0x1400  }
0x1e: {  	[sflag:s13] =	ssyncset.done $0x0  }
0x1f: {  	[sflag:s13] =	ssyncadd.s32 $0xFFFFEC00  }
0x20: {  	[tilespmem:s16], [sflag:$0x1] =	stream.indirect.gather [hbm4b:s4+s15], $0x80, s2, s15, $0xb8;
	[tilespmem:$0x1E800] =	vst v63  }
0x21: {  	s25 =	simm.s32 $0x80  }
0x22: {  	[tilespmem:s17], [sflag:$0x2] =	stream.indirect.gather [hbm4b:s4+s15], $0x80, s25, s15, $0xb8;
	[tilespmem:$0x1E800] =	vst v63  }
0x23: {  	_ =	swait.ge [sflag:s18], $0x4000  }
0x24: {  	[sflag:s18] =	ssyncset.done $0x0  }
0x25: {  	s29 =	simm.s32 $0x1400;
	[sflag:s18] =	ssyncadd.s32 $0xFFFFC000  }
0x26: {  	[spmem:s1] =	stream.indirect.scatter.add.f32 [tilespmem:s16], [sflag:$0x3], $0x80, s29, s15, $0xb8;
	[tilespmem:$0x1E800] =	vst v63  }
0x27: {  	_ =	swait.ge [sflag:s13], $0x4000  }
0x28: {  	[sflag:s13] =	ssyncset.done $0x0  }
0x29: {  	s30 =	simm.s32 $0x100;
	[sflag:s13] =	ssyncadd.s32 $0xFFFFC000  }
0x2a: {  	[tilespmem:s16], [sflag:$0x1] =	stream.indirect.gather [hbm4b:s4+s15], $0x80, s30, s15, $0xb8;
	[tilespmem:$0x1E800] =	vst v63  }
0x2b: {  	_ =	swait.ge [sflag:s19], $0x4000  }
0x2c: {  	[sflag:s19] =	ssyncset.done $0x0  }
0x2d: {  	s31 =	simm.s32 $0x1480;
	[sflag:s19] =	ssyncadd.s32 $0xFFFFC000  }
0x2e: {  	[spmem:s1] =	stream.indirect.scatter.add.f32 [tilespmem:s17], [sflag:$0x3], $0x80, s31, s15, $0xb8;
	[tilespmem:$0x1E800] =	vst v63  }
0x2f: {  	_ =	swait.ge [sflag:s13], $0x4000  }
0x30: {  	s26 =	simm.s32 $0x800;
	s25 =	simm.s32 $0x100;
	[sflag:s13] =	ssyncset.done $0x0  }
.LBB2_2:
0x31: {  	s28 =	sadd.s32 $0x80, s25  }
0x32: {  	[sflag:s13] =	ssyncadd.s32 $0xFFFFC000;
	s29 =	smov.u32 s26;
	s30 =	sadd.s32 $0x400, s26  }
0x33: {  	[tilespmem:s17], [sflag:$0x2] =	stream.indirect.gather [hbm4b:s4+s15], $0x80, s28, s15, $0xb8;
	[tilespmem:$0x1E800] =	vst v63  }
0x34: {  	p0 =	sne.s32 s26, $0x4800;
	_ =	swait.ge [sflag:s18], $0x4000  }
0x35: {  	[sflag:s18] =	ssyncset.done $0x0  }
0x36: {  	s26 =	sadd.s32 $0x1400, s25;
	[sflag:s18] =	ssyncadd.s32 $0xFFFFC000  }
0x37: {  	[spmem:s1] =	stream.indirect.scatter.add.f32 [tilespmem:s16], [sflag:$0x3], $0x80, s26, s15, $0xb8;
	[tilespmem:$0x1E800] =	vst v63  }
0x38: {  	_ =	swait.ge [sflag:s13], $0x4000  }
0x39: {  	[sflag:s13] =	ssyncset.done $0x0  }
0x3a: {  	s26 =	sadd.s32 $0x100, s25;
	[sflag:s13] =	ssyncadd.s32 $0xFFFFC000  }
0x3b: {  	[tilespmem:s16], [sflag:$0x1] =	stream.indirect.gather [hbm4b:s4+s15], $0x80, s26, s15, $0xb8;
	[tilespmem:$0x1E800] =	vst v63  }
0x3c: {  	_ =	swait.ge [sflag:s19], $0x4000  }
.Ltmp0:
0x3d: {  	[sflag:s19] =	ssyncset.done $0x0;
	(pc) =	sbr.rel @p0 .LBB2_2-.Ltmp0, $4  }
0x3e: {  	s25 =	sadd.s32 $0x1480, s25;
	[sflag:s19] =	ssyncadd.s32 $0xFFFFC000  }
0x3f: {  	[spmem:s1] =	stream.indirect.scatter.add.f32 [tilespmem:s17], [sflag:$0x3], $0x80, s25, s15, $0xb8;
	[tilespmem:$0x1E800] =	vst v63  }
0x40: {  	_ =	swait.ge [sflag:s13], $0x4000  }
0x41: {  	s26 =	smov.u32 s30;
	s25 =	sshra.s32 s29, $0x2;
	[sflag:s13] =	ssyncset.done $0x0  }
0x42: {  	s26 =	sadd.s32 $0x80, s25;
	[sflag:s13] =	ssyncadd.s32 $0xFFFFC000  }
0x43: {  	[tilespmem:s17], [sflag:$0x2] =	stream.indirect.gather [hbm4b:s4+s15], $0x80, s26, s15, $0xb8;
	[tilespmem:$0x1E800] =	vst v63  }
0x44: {  	_ =	swait.ge [sflag:s18], $0x4000  }
0x45: {  	[sflag:s18] =	ssyncset.done $0x0  }
0x46: {  	s29 =	sadd.s32 $0x1400, s25;
	[sflag:s18] =	ssyncadd.s32 $0xFFFFC000  }
0x47: {  	[spmem:s1] =	stream.indirect.scatter.add.f32 [tilespmem:s16], [sflag:$0x3], $0x80, s29, s15, $0xb8;
	[tilespmem:$0x1E800] =	vst v63  }
0x48: {  	_ =	swait.ge [sflag:s13], $0x4000  }
0x49: {  	[sflag:s13] =	ssyncset.done $0x0  }
0x4a: {  	s30 =	sadd.s32 $0x100, s25;
	[sflag:s13] =	ssyncadd.s32 $0xFFFFC000  }
0x4b: {  	[tilespmem:s16], [sflag:$0x1] =	stream.indirect.gather [hbm4b:s4+s15], $0x80, s30, s15, $0xb8;
	[tilespmem:$0x1E800] =	vst v63  }
0x4c: {  	_ =	swait.ge [sflag:s19], $0x4000  }
0x4d: {  	[sflag:s19] =	ssyncset.done $0x0  }
0x4e: {  	s31 =	sadd.s32 $0x1480, s25;
	[sflag:s19] =	ssyncadd.s32 $0xFFFFC000  }
0x4f: {  	[spmem:s1] =	stream.indirect.scatter.add.f32 [tilespmem:s17], [sflag:$0x3], $0x80, s31, s15, $0xb8;
	[tilespmem:$0x1E800] =	vst v63  }
0x50: {  	_ =	swait.ge [sflag:s13], $0x4000  }
0x51: {  	[sflag:s13] =	ssyncset.done $0x0  }
0x52: {  	[sflag:s13] =	ssyncadd.s32 $0xFFFFC000  }
0x53: {  	[tilespmem:s17], [sflag:$0x2] =	stream.indirect.gather [hbm4b:s4+s15], $0x80, s20, s15, $0xb8;
	[tilespmem:$0x1E800] =	vst v63  }
0x54: {  	_ =	swait.ge [sflag:s18], $0x4000  }
0x55: {  	[sflag:s18] =	ssyncset.done $0x0  }
0x56: {  	[sflag:s18] =	ssyncadd.s32 $0xFFFFC000  }
0x57: {  	[spmem:s1] =	stream.indirect.scatter.add.f32 [tilespmem:s16], [sflag:$0x3], $0x80, s21, s15, $0xb8;
	[tilespmem:$0x1E800] =	vst v63  }
0x58: {  	_ =	swait.ge [sflag:s13], $0x4000  }
0x59: {  	[sflag:s13] =	ssyncset.done $0x0  }
0x5a: {  	[sflag:s13] =	ssyncadd.s32 $0xFFFFC000  }
0x5b: {  	_ =	swait.ge [sflag:s19], $0x4000  }
0x5c: {  	[sflag:s19] =	ssyncset.done $0x0  }
0x5d: {  	[sflag:s19] =	ssyncadd.s32 $0xFFFFC000  }
0x5e: {  	[spmem:s1] =	stream.indirect.scatter.add.f32 [tilespmem:s17], [sflag:$0x3], $0x80, s22, s15, $0xb8;
	[tilespmem:$0x1E800] =	vst v63  }
0x5f: {  	_ =	swait.ge [sflag:s13], $0x4000  }
0x60: {  	[sflag:s13] =	ssyncset.done $0x0  }
0x61: {  	s26 =	simm.s32 $0x0;
	[sflag:s13] =	ssyncadd.s32 $0xFFFFC000  }
0x62: {  	[tilespmem:s26], [sflag:$0x3] =	stream.linear.gather [hbm4b:s10+s26], $0x1400, $0x38;
	[tilespmem:$0x1E800] =	vst v63  }
0x63: {  	_ =	swait.ge [sflag:s13], $0x1400  }
0x64: {  	[sflag:s13] =	ssyncset.done $0x0  }
0x65: {  	[sflag:s13] =	ssyncadd.s32 $0xFFFFEC00  }
0x66: {  	[tilespmem:s14], [sflag:$0x3] =	stream.linear.gather [hbm4b:s11+s26], $0x1400, $0x38;
	[tilespmem:$0x1E800] =	vst v63  }
0x67: {  	_ =	swait.ge [sflag:s13], $0x1400  }
0x68: {  	[sflag:s13] =	ssyncset.done $0x0  }
0x69: {  	[sflag:s13] =	ssyncadd.s32 $0xFFFFEC00  }
0x6a: {  	[tilespmem:s16], [sflag:$0x1] =	stream.indirect.gather [hbm4b:s4+s15], $0x80, s26, s15, $0xb8;
	[tilespmem:$0x1E800] =	vst v63  }
0x6b: {  	s28 =	simm.s32 $0x80  }
0x6c: {  	[tilespmem:s17], [sflag:$0x2] =	stream.indirect.gather [hbm4b:s4+s15], $0x80, s28, s15, $0xb8;
	[tilespmem:$0x1E800] =	vst v63  }
0x6d: {  	_ =	swait.ge [sflag:s18], $0x4000  }
0x6e: {  	[sflag:s18] =	ssyncset.done $0x0  }
0x6f: {  	s29 =	simm.s32 $0x1400;
	[sflag:s18] =	ssyncadd.s32 $0xFFFFC000  }
0x70: {  	[spmem:s1] =	stream.indirect.scatter.add.f32 [tilespmem:s16], [sflag:$0x3], $0x80, s29, s15, $0xb8;
	[tilespmem:$0x1E800] =	vst v63  }
0x71: {  	_ =	swait.ge [sflag:s13], $0x4000  }
0x72: {  	[sflag:s13] =	ssyncset.done $0x0  }
0x73: {  	s30 =	simm.s32 $0x100;
	[sflag:s13] =	ssyncadd.s32 $0xFFFFC000  }
0x74: {  	[tilespmem:s16], [sflag:$0x1] =	stream.indirect.gather [hbm4b:s4+s15], $0x80, s30, s15, $0xb8;
	[tilespmem:$0x1E800] =	vst v63  }
0x75: {  	_ =	swait.ge [sflag:s19], $0x4000  }
0x76: {  	[sflag:s19] =	ssyncset.done $0x0  }
0x77: {  	s31 =	simm.s32 $0x1480;
	[sflag:s19] =	ssyncadd.s32 $0xFFFFC000  }
0x78: {  	[spmem:s1] =	stream.indirect.scatter.add.f32 [tilespmem:s17], [sflag:$0x3], $0x80, s31, s15, $0xb8;
	[tilespmem:$0x1E800] =	vst v63  }
0x79: {  	_ =	swait.ge [sflag:s13], $0x4000  }
0x7a: {  	s25 =	simm.s32 $0x100;
	s26 =	simm.s32 $0x800;
	[sflag:s13] =	ssyncset.done $0x0  }
.LBB2_4:
0x7b: {  	s28 =	sadd.s32 $0x80, s25  }
0x7c: {  	[sflag:s13] =	ssyncadd.s32 $0xFFFFC000;
	s29 =	smov.u32 s26;
	s30 =	sadd.s32 $0x400, s26  }
0x7d: {  	[tilespmem:s17], [sflag:$0x2] =	stream.indirect.gather [hbm4b:s4+s15], $0x80, s28, s15, $0xb8;
	[tilespmem:$0x1E800] =	vst v63  }
0x7e: {  	p0 =	sne.s32 s26, $0x4800;
	_ =	swait.ge [sflag:s18], $0x4000  }
0x7f: {  	[sflag:s18] =	ssyncset.done $0x0  }
0x80: {  	s26 =	sadd.s32 $0x1400, s25;
	[sflag:s18] =	ssyncadd.s32 $0xFFFFC000  }
0x81: {  	[spmem:s1] =	stream.indirect.scatter.add.f32 [tilespmem:s16], [sflag:$0x3], $0x80, s26, s15, $0xb8;
	[tilespmem:$0x1E800] =	vst v63  }
0x82: {  	_ =	swait.ge [sflag:s13], $0x4000  }
0x83: {  	[sflag:s13] =	ssyncset.done $0x0  }
0x84: {  	s26 =	sadd.s32 $0x100, s25;
	[sflag:s13] =	ssyncadd.s32 $0xFFFFC000  }
0x85: {  	[tilespmem:s16], [sflag:$0x1] =	stream.indirect.gather [hbm4b:s4+s15], $0x80, s26, s15, $0xb8;
	[tilespmem:$0x1E800] =	vst v63  }
0x86: {  	_ =	swait.ge [sflag:s19], $0x4000  }
.Ltmp1:
0x87: {  	[sflag:s19] =	ssyncset.done $0x0;
	(pc) =	sbr.rel @p0 .LBB2_4-.Ltmp1, $4  }
0x88: {  	s25 =	sadd.s32 $0x1480, s25;
	[sflag:s19] =	ssyncadd.s32 $0xFFFFC000  }
0x89: {  	[spmem:s1] =	stream.indirect.scatter.add.f32 [tilespmem:s17], [sflag:$0x3], $0x80, s25, s15, $0xb8;
	[tilespmem:$0x1E800] =	vst v63  }
0x8a: {  	_ =	swait.ge [sflag:s13], $0x4000  }
0x8b: {  	s26 =	smov.u32 s30;
	s25 =	sshra.s32 s29, $0x2;
	[sflag:s13] =	ssyncset.done $0x0  }
0x8c: {  	s26 =	sadd.s32 $0x80, s25;
	[sflag:s13] =	ssyncadd.s32 $0xFFFFC000  }
0x8d: {  	[tilespmem:s17], [sflag:$0x2] =	stream.indirect.gather [hbm4b:s4+s15], $0x80, s26, s15, $0xb8;
	[tilespmem:$0x1E800] =	vst v63  }
0x8e: {  	_ =	swait.ge [sflag:s18], $0x4000  }
0x8f: {  	[sflag:s18] =	ssyncset.done $0x0  }
0x90: {  	s29 =	sadd.s32 $0x1400, s25;
	[sflag:s18] =	ssyncadd.s32 $0xFFFFC000  }
0x91: {  	[spmem:s1] =	stream.indirect.scatter.add.f32 [tilespmem:s16], [sflag:$0x3], $0x80, s29, s15, $0xb8;
	[tilespmem:$0x1E800] =	vst v63  }
0x92: {  	_ =	swait.ge [sflag:s13], $0x4000  }
0x93: {  	[sflag:s13] =	ssyncset.done $0x0  }
0x94: {  	s30 =	sadd.s32 $0x100, s25;
	[sflag:s13] =	ssyncadd.s32 $0xFFFFC000  }
0x95: {  	[tilespmem:s16], [sflag:$0x1] =	stream.indirect.gather [hbm4b:s4+s15], $0x80, s30, s15, $0xb8;
	[tilespmem:$0x1E800] =	vst v63  }
0x96: {  	_ =	swait.ge [sflag:s19], $0x4000  }
0x97: {  	[sflag:s19] =	ssyncset.done $0x0  }
0x98: {  	s31 =	sadd.s32 $0x1480, s25;
	[sflag:s19] =	ssyncadd.s32 $0xFFFFC000  }
0x99: {  	[spmem:s1] =	stream.indirect.scatter.add.f32 [tilespmem:s17], [sflag:$0x3], $0x80, s31, s15, $0xb8;
	[tilespmem:$0x1E800] =	vst v63  }
0x9a: {  	_ =	swait.ge [sflag:s13], $0x4000  }
0x9b: {  	[sflag:s13] =	ssyncset.done $0x0  }
0x9c: {  	[sflag:s13] =	ssyncadd.s32 $0xFFFFC000  }
0x9d: {  	[tilespmem:s17], [sflag:$0x2] =	stream.indirect.gather [hbm4b:s4+s15], $0x80, s20, s15, $0xb8;
	[tilespmem:$0x1E800] =	vst v63  }
0x9e: {  	_ =	swait.ge [sflag:s18], $0x4000  }
0x9f: {  	[sflag:s18] =	ssyncset.done $0x0  }
0xa0: {  	[sflag:s18] =	ssyncadd.s32 $0xFFFFC000  }
0xa1: {  	[spmem:s1] =	stream.indirect.scatter.add.f32 [tilespmem:s16], [sflag:$0x3], $0x80, s21, s15, $0xb8;
	[tilespmem:$0x1E800] =	vst v63  }
0xa2: {  	_ =	swait.ge [sflag:s13], $0x4000  }
0xa3: {  	[sflag:s13] =	ssyncset.done $0x0  }
0xa4: {  	[sflag:s13] =	ssyncadd.s32 $0xFFFFC000  }
0xa5: {  	_ =	swait.ge [sflag:s19], $0x4000  }
0xa6: {  	[sflag:s19] =	ssyncset.done $0x0  }
0xa7: {  	[sflag:s19] =	ssyncadd.s32 $0xFFFFC000  }
0xa8: {  	[spmem:s1] =	stream.indirect.scatter.add.f32 [tilespmem:s17], [sflag:$0x3], $0x80, s22, s15, $0xb8;
	[tilespmem:$0x1E800] =	vst v63  }
0xa9: {  	_ =	swait.ge [sflag:s13], $0x4000  }
0xaa: {  	s24 =	sadd.s32 $0x1, s24;
	[sflag:s13] =	ssyncset.done $0x0  }
0xab: {  	p0 =	sne.s32 s24, s7;
	[sflag:s13] =	ssyncadd.s32 $0xFFFFC000  }
.Ltmp2:
0xac: {  	[bflag:$0x0] =	sbarrier.arrive $0xFFFF;
	(pc) =	sbr.rel @p0 .LBB2_1-.Ltmp2, $4  }
0xad: {  	[hbm:s23], [sflag:s6] =	dma.local [spmem:s12], $0x2800  }
0xae: {  	_ =	swait.ge [sflag:s13], $0x2800  }
0xaf: {  	[sflag:s13] =	ssyncset.done $0x0  }
0xb0: {  	[sflag:s13] =	ssyncadd.s32 $0xFFFFD800  }
0xb1: {  	_ =	sfence.sel $0x180000  }
0xb2: {  	[bflag:$0x0] =	sbarrier.arrive $0xFFFF  }
0xb3: {  	p0 =	sne.s32 s3, $0x0;
	_ =	strace $0x9000004A  }
0xb4: {  	s0 =	sadd.s32 @!p0 $0x100000, s0;
	[bflag:$0x2] =	sbarrier.arrive $0xFFFF  }
0xb5: {  	[sflag:s0] =	ssyncadd.tile.s32 @!p0 $0x1;
	_ =	shalt  }
.Lfunc_end2:
_tile_overlayer_lowered:
.L_overlay_start_2:
0xb6: {  	(tag) =	ssettag $0x2  }
0xb7: {  	s0 =	rddreg [dreg:$0x0];
	s2 =	stileid.u32  }
0xb8: {  	s1 =	rddreg [dreg:$0x1];
	p0 =	sne.s32 s2, $0x0  }
0xb9: {  	s3 =	rddreg [dreg:$0x2];
	[bflag:$0x3] =	sbarrier.arrive $0xFFFF;
	s2 =	simm.s32 @!p0 $0x1C03  }
0xba: {  	[timem:s3], [sflag:s2] =	dma.local @!p0 [hbm:s0], s1  }
0xbb: {  	s0 =	simm.s32 @!p0 $0x3  }
0xbc: {  	_ =	swait.ge @!p0 [sflag:s0], s1  }
0xbd: {  	s1 =	ssub.s32 @!p0 $0x0, s1;
	[sflag:s0] =	ssyncset.done @!p0 $0x0  }
0xbe: {  	[sflag:s0] =	ssyncadd.s32 @!p0 s1  }
0xbf: {  	[bflag:$0x3] =	sbarrier.arrive $0xFFFF  }
0xc0: {  	_ =	shalt  }

// kernel: kernel.15.cloned.1.call-start
scs
__scs_entry_jumppad:
0x0: {  	(pc) =	sbr.rel $0x88, $3  }
0x1: {  	(tag) =	ssettag $0x0;
	lr =	simm.s32 $0x1  }
0x2: {  	[smem:$0x3F99] =	sst lr;
	_ =	strace $0xD0000000  }
0x3: {  	_ = 	snop  }
0x4: {  	_ = 	snop  }
0x5: {  	_ = 	snop  }
0x6: {  	_ = 	snop  }
0x7: {  	_ = 	snop  }
__scs_overlays_trampoline_lowered:
0x8: {  	[smem:$0x3FA8] =	sst s0  }
0x9: {  	[smem:$0x3FA9] =	sst s1  }
0xa: {  	[smem:$0x3FAA] =	sst s2  }
0xb: {  	[smem:$0x3FAB] =	sst s3  }
0xc: {  	[smem:$0x3FAC] =	sst s4  }
0xd: {  	[smem:$0x3FAD] =	sst s5  }
0xe: {  	[smem:$0x3FAE] =	sst s6  }
0xf: {  	[smem:$0x3FAF] =	sst s7  }
0x10: {  	[smem:$0x3FB0] =	sst s8  }
0x11: {  	[smem:$0x3FB1] =	sst s9;
	s0 =	simm.s32 @!p0 $0x0  }
0x12: {  	s1 =	sld [smem:$0x3F97];
	s0 =	simm.s32 @p0 $0x1  }
0x13: {  	[smem:$0x3FB2] =	sst s0;
	s0 =	simm.s32 @!p1 $0x0  }
0x14: {  	s2 =	sld [smem:$0x3F96];
	s0 =	simm.s32 @p1 $0x1  }
0x15: {  	[smem:$0x3FB3] =	sst s0;
	s0 =	simm.s32 @!p2 $0x0  }
0x16: {  	s3 =	sld [smem:$0x3FDB];
	s0 =	simm.s32 @p2 $0x1  }
0x17: {  	s4 =	simm.s32 $0x1BF5;
	[smem:$0x3FB5] =	sst s0  }
0x18: {  	s0 =	sld [smem:$0x3F98];
	_ =	swait.ge [sflag:s4], $0x0  }
0x19: {  	s7 =	sld [smem:$0x3F99]  }
0x1a: {  	s8 =	sadd.s32 $0xFFFFE003, lr  }
0x1b: {  	s9 =	sadd.s32 $0xFFFFFEF7, lr;
	s5 =	simm.s32 $0xFFFFFFFF;
	p2 =	slt.u32 s8, $0xFFFFF086  }
0x1c: {  	p1 =	slt.u32 s9, $0xF7A;
	s5 =	simm.s32 @!p2 $0x0  }
0x1d: {  	s5 =	simm.s32 @p1 $0x1;
	p0 =	seq.s32 s7, s2  }
0x1e: {  	s7 =	smul.u32 @!p0 $0xF7A, s2;
	p2 =	seq.s32 @!p0 s5, $0x0  }
0x1f: {  	s9 =	smul.u32 $0xF7A, s1;
	s8 =	simm.s32 @!p0 $0x1BF5;
	p2 =	por !p2, p0  }
0x20: {  	[sflag:s8] =	ssyncset.s32 @!p0 $0xFFFFF086;
	s6 =	sadd.s32 @!p0 s3, s7;
	s7 =	simm.s32 @!p0 $0x108  }
0x21: {  	s3 =	sadd.s32 s3, s9;
	s6 =	sadd.s32 @!p0 $0x88, s6;
	s7 =	simm.s32 @p2 $0x1082  }
0x22: {  	[simem:s7], [sflag:s8] =	dma.local @!p0 [hbm:s6], $0xF7A  }
0x23: {  	s9 =	sor.u32 $0xD0000000, s2;
	s6 =	simm.s32 $0x108;
	_ =	swait.ge @!p0 [sflag:s8], $0x0  }
0x24: {  	s3 =	sadd.s32 $0x88, s3;
	s6 =	simm.s32 @!p1 $0x1082;
	[sflag:s4] =	ssyncset.s32 $0xFFFFF086  }
0x25: {  	[simem:s6], [sflag:s4] =	dma.local [hbm:s3], $0xF7A  }
0x26: {  	[smem:$0x3F99] =	sst s1;
	(tag) =	ssettag s2;
	_ =	strace s9  }
0x27: {  	s1 =	sld [smem:$0x3FA9]  }
0x28: {  	s2 =	sld [smem:$0x3FAA]  }
0x29: {  	s4 =	sld [smem:$0x3FAC]  }
0x2a: {  	p0 =	seq.s32 s5, $0x0;
	s5 =	sld [smem:$0x3FAD]  }
0x2b: {  	s6 =	sld [smem:$0x3FAE]  }
0x2c: {  	s7 =	sld [smem:$0x3FAF]  }
0x2d: {  	s3 =	simm.s32 $0x108;
	s8 =	sld [smem:$0x3FB0]  }
0x2e: {  	s3 =	simm.s32 @!p0 $0x1082;
	s9 =	sld [smem:$0x3FB1]  }
0x2f: {  	lr =	sadd.s32 s0, s3;
	s0 =	sld [smem:$0x3FA8]  }
0x30: {  	s3 =	sld [smem:$0x3FAB]  }
0x31: {  	[smem:$0x3FB4] =	sst s10  }
0x32: {  	s10 =	sld [smem:$0x3FB2];
	_ =	sdelay $0x3  }
0x33: {  	p0 =	seq.s32 s10, $0x1;
	s10 =	sld [smem:$0x3FB4];
	_ =	sdelay $0x3  }
0x34: {  	[smem:$0x3FB4] =	sst s10  }
0x35: {  	s10 =	sld [smem:$0x3FB3];
	_ =	sdelay $0x3  }
0x36: {  	p1 =	seq.s32 s10, $0x1;
	s10 =	sld [smem:$0x3FB4];
	_ =	sdelay $0x3  }
0x37: {  	[smem:$0x3FB4] =	sst s10  }
0x38: {  	s10 =	sld [smem:$0x3FB5]  }
0x39: {  	_ = 	snop;
	(pc) =	sbr.ind lr, $3  }
0x3a: {  	_ = 	snop  }
0x3b: {  	_ = 	snop  }
0x3c: {  	p2 =	seq.s32 s10, $0x1;
	s10 =	sld [smem:$0x3FB4]  }
0x3d: {  	_ =	shalt  }
0x3e: {  	_ =	shalt  }
0x3f: {  	_ =	shalt  }
0x40: {  	_ =	shalt  }
0x41: {  	_ =	shalt  }
0x42: {  	_ =	shalt  }
0x43: {  	_ =	shalt  }
0x44: {  	_ =	shalt  }
0x45: {  	_ =	shalt  }
0x46: {  	_ =	shalt  }
0x47: {  	_ =	shalt  }
0x48: {  	_ =	shalt  }
0x49: {  	_ =	shalt  }
0x4a: {  	_ =	shalt  }
0x4b: {  	_ =	shalt  }
0x4c: {  	_ =	shalt  }
0x4d: {  	_ =	shalt  }
0x4e: {  	_ =	shalt  }
0x4f: {  	_ =	shalt  }
0x50: {  	_ =	shalt  }
0x51: {  	_ =	shalt  }
0x52: {  	_ =	shalt  }
0x53: {  	_ =	shalt  }
0x54: {  	_ =	shalt  }
0x55: {  	_ =	shalt  }
0x56: {  	_ =	shalt  }
0x57: {  	_ =	shalt  }
0x58: {  	_ =	shalt  }
0x59: {  	_ =	shalt  }
0x5a: {  	_ =	shalt  }
0x5b: {  	_ =	shalt  }
0x5c: {  	_ =	shalt  }
0x5d: {  	_ =	shalt  }
0x5e: {  	_ =	shalt  }
0x5f: {  	_ =	shalt  }
0x60: {  	_ =	shalt  }
0x61: {  	_ =	shalt  }
0x62: {  	_ =	shalt  }
0x63: {  	_ =	shalt  }
0x64: {  	_ =	shalt  }
0x65: {  	_ =	shalt  }
0x66: {  	_ =	shalt  }
0x67: {  	_ =	shalt  }
0x68: {  	_ =	shalt  }
0x69: {  	_ =	shalt  }
0x6a: {  	_ =	shalt  }
0x6b: {  	_ =	shalt  }
0x6c: {  	_ =	shalt  }
0x6d: {  	_ =	shalt  }
0x6e: {  	_ =	shalt  }
0x6f: {  	_ =	shalt  }
0x70: {  	_ =	shalt  }
0x71: {  	_ =	shalt  }
0x72: {  	_ =	shalt  }
0x73: {  	_ =	shalt  }
0x74: {  	_ =	shalt  }
0x75: {  	_ =	shalt  }
0x76: {  	_ =	shalt  }
0x77: {  	_ =	shalt  }
0x78: {  	_ =	shalt  }
0x79: {  	_ =	shalt  }
0x7a: {  	_ =	shalt  }
0x7b: {  	_ =	shalt  }
0x7c: {  	_ =	shalt  }
0x7d: {  	_ =	shalt  }
0x7e: {  	_ =	shalt  }
0x7f: {  	_ =	shalt  }
0x80: {  	_ =	shalt  }
0x81: {  	_ =	shalt  }
0x82: {  	_ =	shalt  }
0x83: {  	_ =	shalt  }
0x84: {  	_ =	shalt  }
0x85: {  	_ =	shalt  }
0x86: {  	_ =	shalt  }
0x87: {  	_ =	shalt  }
.Lfunc_end0:
.L_simem_size_0:
called_computation.2_lowered:
.L_overlay_start_0:
0x88: {  	s2 =	sld [smem:$0x3FD9]  }
0x89: {  	s3 =	sld [smem:$0x3FFE];
	_ =	sdelay $0x1  }
0x8a: {  	s1 =	srdreg.scid  }
0x8b: {  	s0 =	sand.u32 $0x1, s1  }
0x8c: {  	s17 =	sshll.u32 s0, $0xA;
	s2 =	sadd.s32 s3, s2  }
0x8d: {  	s2 =	sadd.s32 s2, s17  }
0x8e: {  	[smem:$0x3FC0] =	sst s2  }
0x8f: {  	_ = 	snop  }
0x90: {  	s2 =	sld [smem:$0x3FD0];
	(tm) =	ssettm $0x1  }
0x91: {  	s18 =	sld [smem:$0x3FFB];
	_ =	sdelay $0x3  }
0x92: {  	_ =	strace s18  }
0x93: {  	s3 =	sld [smem:$0x3FFC];
	_ =	sdelay $0x3  }
0x94: {  	_ =	strace s3  }
0x95: {  	s3 =	sld [smem:$0x3FFD];
	_ =	sdelay $0x3  }
0x96: {  	_ =	strace s3  }
0x97: {  	_ =	strace $0x8FFFFFFF  }
0x98: {  	s19 =	sld [smem:$0x3FDB];
	_ =	sdelay $0x1  }
0x99: {  	s4 =	simm.s32 $_scs_section_size  }
0x9a: {  	s5 =	simm.s32 $_size__tile_overlayer_lowered;
	s6 =	simm.s32 $_tile_overlayer_lowered  }
0x9b: {  	s22 =	simm.s32 $0x1BFF;
	s21 =	sshll.u32 s6, $0x1;
	s3 =	sadd.s32 s4, s19  }
0x9c: {  	s7 =	simm.s32 $0x0;
	s20 =	sshll.u32 s5, $0x1;
	s5 =	sadd.s32 s21, s3  }
0x9d: {  	[timem:s7], [sflag:s22] =	dma.local [hbm:s5], s20  }
0x9e: {  	_ =	swait.ge [sflag:s22], s20  }
0x9f: {  	s4 =	ssub.s32 $0x0, s20;
	[sflag:s22] =	ssyncset.done $0x0  }
0xa0: {  	[sflag:s22] =	ssyncadd.s32 s4;
	_ =	sdelay $0x1  }
0xa1: {  	s23 =	simm.s32 $0x1B8B  }
0xa2: {  	_ =	swait.ge [sflag:s23], $0x1  }
0xa3: {  	[sflag:s23] =	ssyncset.done $0x0  }
0xa4: {  	s25 =	simm.s32 $0x1B8E;
	s24 =	sld [smem:$0x3FFE];
	[sflag:s23] =	ssyncadd.s32 $0xFFFFFFFF  }
0xa5: {  	s26 =	simm.s32 $execute0_lowered;
	[smem:$0x3FD2] =	sst s25  }
0xa6: {  	s5 =	sshll.u32 s26, $0x1;
	_ =	strace $0x8000004C;
	[dreg:$0x1] =	wrdreg $0xFFFFFFFF  }
0xa7: {  	s28 =	simm.s32 $_size_execute0_lowered;
	s3 =	sadd.s32 s3, s5;
	[dreg:$0x0] =	wrdreg $0x0  }
0xa8: {  	s5 =	sshll.u32 s28, $0x1;
	[dreg:$0x2] =	wrdreg s3  }
0xa9: {  	[dreg:$0x3] =	wrdreg s5  }
0xaa: {  	[dreg:$0x4] =	wrdreg $0xC0  }
0xab: {  	_ =	task [dreg:s7], $0x5FFFF  }
0xac: {  	[dreg:$0x1] =	wrdreg $0xFFFFFFFF  }
0xad: {  	[dreg:$0x0] =	wrdreg $0x60  }
0xae: {  	[dreg:$0x2] =	wrdreg s24  }
0xaf: {  	[dreg:$0x3] =	wrdreg s2  }
0xb0: {  	[dreg:$0x4] =	wrdreg $0xA8000  }
0xb1: {  	[dreg:$0x5] =	wrdreg $0x9  }
0xb2: {  	_ =	task.clear_ibuf [dreg:s7], $0x6FFFF;
	_ =	strace $0x9000004C  }
0xb3: {  	s29 =	simm.s32 $0x9;
	_ =	strace $0x8000004E  }
0xb4: {  	_ =	swait.ge [sflag:s29], $0x1  }
0xb5: {  	[sflag:s29] =	ssyncadd.s32 $0xFFFFFFFF  }
0xb6: {  	_ =	strace $0x9000004E  }
0xb7: {  	_ =	sfence  }
0xb8: {  	s30 =	sld [smem:$0x0];
	_ =	sdelay $0x2  }
0xb9: {  	s31 =	sshll.u32 s1, $0xD;
	s1 =	sshrl.u32 s1, $0x2  }
0xba: {  	s3 =	sand.u32 $0x4000, s31;
	s1 =	sadd.s32 s1, s30  }
0xbb: {  	s0 =	sor.u32 s3, s0;
	s1 =	sshll.u32 s1, $0x11  }
0xbc: {  	s0 =	sor.u32 s1, s0  }
0xbd: {  	s0 =	sadd.s32 $0x8F2B, s0  }
0xbe: {  	[sflag:s0] =	ssyncadd.remote.s32 $0x1  }
0xbf: {  	_ =	sfence.sel $0xFFFF  }
0xc0: {  	[dreg:$0x0] =	wrdreg $0xFFFFFFFF;
	(pc) =	sbr.abs _section_cstart, $3  }
0xc1: {  	[dreg:$0x1] =	wrdreg $0xFFFFFFFF  }
0xc2: {  	_ =	task.clear_ibuf [dreg:s7], $0x2FFFF;
	_ =	strace $0x9FFFFFFF  }
0xc3: {  	(tm) =	ssettm $0x7FFFFFFF  }
tec
execute0_lowered:
.L_overlay_start_1:
0x0: {  	(tag) =	ssettag $0x1  }
0x1: {  	s6 =	rddreg [dreg:$0x0]  }
0x2: {  	s10 =	rddreg [dreg:$0x1]  }
0x3: {  	s1 =	rddreg [dreg:$0x2]  }
0x4: {  	s0 =	rddreg [dreg:$0x3];
	s2 =	simm.s32 $0x0  }
0x5: {  	s3 =	srdreg.scid;
	s14 =	simm.s32 $0x1400;
	s15 =	simm.s32 $0x80  }
0x6: {  	s16 =	simm.s32 $0x2800;
	s17 =	simm.s32 $0x6800;
	s18 =	simm.s32 $0x1  }
0x7: {  	s19 =	simm.s32 $0x2;
	s20 =	simm.s32 $0x1380;
	s21 =	simm.s32 $0x2700  }
0x8: {  	s22 =	simm.s32 $0x2780;
	[smem:$0x7FF] =	sst s2;
	s4 =	sadd.s32 $0xCA00, s6  }
0x9: {  	s11 =	sadd.s32 $0x2A00, s6;
	s7 =	sand.u32 $0x1, s3;
	s3 =	stileid.u32  }
0xa: {  	s5 =	sadd.s32 $0x34A00, s6;
	_ =	strace $0x8000004D;
	s8 =	smul.u32 $0x28000, s7  }
0xb: {  	s9 =	ssub.s32 $0x2, s7;
	s13 =	smul.u32 $0x50000, s3;
	s28 =	sshll.u32 s7, $0x4  }
0xc: {  	s30 =	sshll.u32 s3, $0x6;
	s24 =	smul.u32 $0x2800, s3;
	s12 =	sshrl.u32 s9, $0x1  }
0xd: {  	s7 =	sor.u32 s3, s28;
	s8 =	sadd.s32 s8, s6;
	s9 =	ssub.s32 s9, s12  }
0xe: {  	s29 =	sshrl.u32 s13, $0x2;
	s6 =	sor.u32 $0x1C03, s30;
	s31 =	smul.u32 $0x500, s7  }
0xf: {  	s13 =	sadd.s32 s29, s1;
	s23 =	sadd.s32 $0x37200, s8;
	s7 =	smax.u32 s9, $0x1  }
0x10: {  	s8 =	sadd.s32 s10, s31;
	s9 =	sadd.s32 s11, s31;
	s12 =	sadd.s32 $0x280, s31  }
0x11: {  	s23 =	sadd.s32 s24, s23;
	s24 =	simm.s32 $0x0;
	s10 =	sadd.s32 s10, s12  }
0x12: {  	s11 =	sadd.s32 s11, s12;
	s12 =	sshrl.u32 s13, $0x3;
	s13 =	simm.s32 $0x3  }
.LBB2_1:
0x13: {  	[spmem:s12], [sflag:s6] =	dma.local [hbm:s5], $0x2800  }
0x14: {  	_ =	swait.ge [sflag:s13], $0x2800  }
0x15: {  	[sflag:s13] =	ssyncset.done $0x0  }
0x16: {  	[sflag:s13] =	ssyncadd.s32 $0xFFFFD800  }
0x17: {  	[bflag:$0x0] =	sbarrier.arrive $0xFFFF  }
0x18: {  	[tilespmem:s2], [sflag:$0x3] =	stream.linear.gather [hbm4b:s8+s2], $0x1400, $0x38;
	[tilespmem:$0x1E800] =	vst v63  }
0x19: {  	_ =	swait.ge [sflag:s13], $0x1400  }
0x1a: {  	[sflag:s13] =	ssyncset.done $0x0  }
0x1b: {  	[sflag:s13] =	ssyncadd.s32 $0xFFFFEC00  }
0x1c: {  	[tilespmem:s14], [sflag:$0x3] =	stream.linear.gather [hbm4b:s9+s2], $0x1400, $0x38;
	[tilespmem:$0x1E800] =	vst v63  }
0x1d: {  	_ =	swait.ge [sflag:s13], $0x1400  }
0x1e: {  	[sflag:s13] =	ssyncset.done $0x0  }
0x1f: {  	[sflag:s13] =	ssyncadd.s32 $0xFFFFEC00  }
0x20: {  	[tilespmem:s16], [sflag:$0x1] =	stream.indirect.gather [hbm4b:s4+s15], $0x80, s2, s15, $0xb8;
	[tilespmem:$0x1E800] =	vst v63  }
0x21: {  	s25 =	simm.s32 $0x80  }
0x22: {  	[tilespmem:s17], [sflag:$0x2] =	stream.indirect.gather [hbm4b:s4+s15], $0x80, s25, s15, $0xb8;
	[tilespmem:$0x1E800] =	vst v63  }
0x23: {  	_ =	swait.ge [sflag:s18], $0x4000  }
0x24: {  	[sflag:s18] =	ssyncset.done $0x0  }
0x25: {  	s29 =	simm.s32 $0x1400;
	[sflag:s18] =	ssyncadd.s32 $0xFFFFC000  }
0x26: {  	[spmem:s1] =	stream.indirect.scatter.add.f32 [tilespmem:s16], [sflag:$0x3], $0x80, s29, s15, $0xb8;
	[tilespmem:$0x1E800] =	vst v63  }
0x27: {  	_ =	swait.ge [sflag:s13], $0x4000  }
0x28: {  	[sflag:s13] =	ssyncset.done $0x0  }
0x29: {  	s30 =	simm.s32 $0x100;
	[sflag:s13] =	ssyncadd.s32 $0xFFFFC000  }
0x2a: {  	[tilespmem:s16], [sflag:$0x1] =	stream.indirect.gather [hbm4b:s4+s15], $0x80, s30, s15, $0xb8;
	[tilespmem:$0x1E800] =	vst v63  }
0x2b: {  	_ =	swait.ge [sflag:s19], $0x4000  }
0x2c: {  	[sflag:s19] =	ssyncset.done $0x0  }
0x2d: {  	s31 =	simm.s32 $0x1480;
	[sflag:s19] =	ssyncadd.s32 $0xFFFFC000  }
0x2e: {  	[spmem:s1] =	stream.indirect.scatter.add.f32 [tilespmem:s17], [sflag:$0x3], $0x80, s31, s15, $0xb8;
	[tilespmem:$0x1E800] =	vst v63  }
0x2f: {  	_ =	swait.ge [sflag:s13], $0x4000  }
0x30: {  	s26 =	simm.s32 $0x800;
	s25 =	simm.s32 $0x100;
	[sflag:s13] =	ssyncset.done $0x0  }
.LBB2_2:
0x31: {  	s28 =	sadd.s32 $0x80, s25  }
0x32: {  	[sflag:s13] =	ssyncadd.s32 $0xFFFFC000;
	s29 =	smov.u32 s26;
	s30 =	sadd.s32 $0x400, s26  }
0x33: {  	[tilespmem:s17], [sflag:$0x2] =	stream.indirect.gather [hbm4b:s4+s15], $0x80, s28, s15, $0xb8;
	[tilespmem:$0x1E800] =	vst v63  }
0x34: {  	p0 =	sne.s32 s26, $0x4800;
	_ =	swait.ge [sflag:s18], $0x4000  }
0x35: {  	[sflag:s18] =	ssyncset.done $0x0  }
0x36: {  	s26 =	sadd.s32 $0x1400, s25;
	[sflag:s18] =	ssyncadd.s32 $0xFFFFC000  }
0x37: {  	[spmem:s1] =	stream.indirect.scatter.add.f32 [tilespmem:s16], [sflag:$0x3], $0x80, s26, s15, $0xb8;
	[tilespmem:$0x1E800] =	vst v63  }
0x38: {  	_ =	swait.ge [sflag:s13], $0x4000  }
0x39: {  	[sflag:s13] =	ssyncset.done $0x0  }
0x3a: {  	s26 =	sadd.s32 $0x100, s25;
	[sflag:s13] =	ssyncadd.s32 $0xFFFFC000  }
0x3b: {  	[tilespmem:s16], [sflag:$0x1] =	stream.indirect.gather [hbm4b:s4+s15], $0x80, s26, s15, $0xb8;
	[tilespmem:$0x1E800] =	vst v63  }
0x3c: {  	_ =	swait.ge [sflag:s19], $0x4000  }
.Ltmp0:
0x3d: {  	[sflag:s19] =	ssyncset.done $0x0;
	(pc) =	sbr.rel @p0 .LBB2_2-.Ltmp0, $4  }
0x3e: {  	s25 =	sadd.s32 $0x1480, s25;
	[sflag:s19] =	ssyncadd.s32 $0xFFFFC000  }
0x3f: {  	[spmem:s1] =	stream.indirect.scatter.add.f32 [tilespmem:s17], [sflag:$0x3], $0x80, s25, s15, $0xb8;
	[tilespmem:$0x1E800] =	vst v63  }
0x40: {  	_ =	swait.ge [sflag:s13], $0x4000  }
0x41: {  	s26 =	smov.u32 s30;
	s25 =	sshra.s32 s29, $0x2;
	[sflag:s13] =	ssyncset.done $0x0  }
0x42: {  	s26 =	sadd.s32 $0x80, s25;
	[sflag:s13] =	ssyncadd.s32 $0xFFFFC000  }
0x43: {  	[tilespmem:s17], [sflag:$0x2] =	stream.indirect.gather [hbm4b:s4+s15], $0x80, s26, s15, $0xb8;
	[tilespmem:$0x1E800] =	vst v63  }
0x44: {  	_ =	swait.ge [sflag:s18], $0x4000  }
0x45: {  	[sflag:s18] =	ssyncset.done $0x0  }
0x46: {  	s29 =	sadd.s32 $0x1400, s25;
	[sflag:s18] =	ssyncadd.s32 $0xFFFFC000  }
0x47: {  	[spmem:s1] =	stream.indirect.scatter.add.f32 [tilespmem:s16], [sflag:$0x3], $0x80, s29, s15, $0xb8;
	[tilespmem:$0x1E800] =	vst v63  }
0x48: {  	_ =	swait.ge [sflag:s13], $0x4000  }
0x49: {  	[sflag:s13] =	ssyncset.done $0x0  }
0x4a: {  	s30 =	sadd.s32 $0x100, s25;
	[sflag:s13] =	ssyncadd.s32 $0xFFFFC000  }
0x4b: {  	[tilespmem:s16], [sflag:$0x1] =	stream.indirect.gather [hbm4b:s4+s15], $0x80, s30, s15, $0xb8;
	[tilespmem:$0x1E800] =	vst v63  }
0x4c: {  	_ =	swait.ge [sflag:s19], $0x4000  }
0x4d: {  	[sflag:s19] =	ssyncset.done $0x0  }
0x4e: {  	s31 =	sadd.s32 $0x1480, s25;
	[sflag:s19] =	ssyncadd.s32 $0xFFFFC000  }
0x4f: {  	[spmem:s1] =	stream.indirect.scatter.add.f32 [tilespmem:s17], [sflag:$0x3], $0x80, s31, s15, $0xb8;
	[tilespmem:$0x1E800] =	vst v63  }
0x50: {  	_ =	swait.ge [sflag:s13], $0x4000  }
0x51: {  	[sflag:s13] =	ssyncset.done $0x0  }
0x52: {  	[sflag:s13] =	ssyncadd.s32 $0xFFFFC000  }
0x53: {  	[tilespmem:s17], [sflag:$0x2] =	stream.indirect.gather [hbm4b:s4+s15], $0x80, s20, s15, $0xb8;
	[tilespmem:$0x1E800] =	vst v63  }
0x54: {  	_ =	swait.ge [sflag:s18], $0x4000  }
0x55: {  	[sflag:s18] =	ssyncset.done $0x0  }
0x56: {  	[sflag:s18] =	ssyncadd.s32 $0xFFFFC000  }
0x57: {  	[spmem:s1] =	stream.indirect.scatter.add.f32 [tilespmem:s16], [sflag:$0x3], $0x80, s21, s15, $0xb8;
	[tilespmem:$0x1E800] =	vst v63  }
0x58: {  	_ =	swait.ge [sflag:s13], $0x4000  }
0x59: {  	[sflag:s13] =	ssyncset.done $0x0  }
0x5a: {  	[sflag:s13] =	ssyncadd.s32 $0xFFFFC000  }
0x5b: {  	_ =	swait.ge [sflag:s19], $0x4000  }
0x5c: {  	[sflag:s19] =	ssyncset.done $0x0  }
0x5d: {  	[sflag:s19] =	ssyncadd.s32 $0xFFFFC000  }
0x5e: {  	[spmem:s1] =	stream.indirect.scatter.add.f32 [tilespmem:s17], [sflag:$0x3], $0x80, s22, s15, $0xb8;
	[tilespmem:$0x1E800] =	vst v63  }
0x5f: {  	_ =	swait.ge [sflag:s13], $0x4000  }
0x60: {  	[sflag:s13] =	ssyncset.done $0x0  }
0x61: {  	s26 =	simm.s32 $0x0;
	[sflag:s13] =	ssyncadd.s32 $0xFFFFC000  }
0x62: {  	[tilespmem:s26], [sflag:$0x3] =	stream.linear.gather [hbm4b:s10+s26], $0x1400, $0x38;
	[tilespmem:$0x1E800] =	vst v63  }
0x63: {  	_ =	swait.ge [sflag:s13], $0x1400  }
0x64: {  	[sflag:s13] =	ssyncset.done $0x0  }
0x65: {  	[sflag:s13] =	ssyncadd.s32 $0xFFFFEC00  }
0x66: {  	[tilespmem:s14], [sflag:$0x3] =	stream.linear.gather [hbm4b:s11+s26], $0x1400, $0x38;
	[tilespmem:$0x1E800] =	vst v63  }
0x67: {  	_ =	swait.ge [sflag:s13], $0x1400  }
0x68: {  	[sflag:s13] =	ssyncset.done $0x0  }
0x69: {  	[sflag:s13] =	ssyncadd.s32 $0xFFFFEC00  }
0x6a: {  	[tilespmem:s16], [sflag:$0x1] =	stream.indirect.gather [hbm4b:s4+s15], $0x80, s26, s15, $0xb8;
	[tilespmem:$0x1E800] =	vst v63  }
0x6b: {  	s28 =	simm.s32 $0x80  }
0x6c: {  	[tilespmem:s17], [sflag:$0x2] =	stream.indirect.gather [hbm4b:s4+s15], $0x80, s28, s15, $0xb8;
	[tilespmem:$0x1E800] =	vst v63  }
0x6d: {  	_ =	swait.ge [sflag:s18], $0x4000  }
0x6e: {  	[sflag:s18] =	ssyncset.done $0x0  }
0x6f: {  	s29 =	simm.s32 $0x1400;
	[sflag:s18] =	ssyncadd.s32 $0xFFFFC000  }
0x70: {  	[spmem:s1] =	stream.indirect.scatter.add.f32 [tilespmem:s16], [sflag:$0x3], $0x80, s29, s15, $0xb8;
	[tilespmem:$0x1E800] =	vst v63  }
0x71: {  	_ =	swait.ge [sflag:s13], $0x4000  }
0x72: {  	[sflag:s13] =	ssyncset.done $0x0  }
0x73: {  	s30 =	simm.s32 $0x100;
	[sflag:s13] =	ssyncadd.s32 $0xFFFFC000  }
0x74: {  	[tilespmem:s16], [sflag:$0x1] =	stream.indirect.gather [hbm4b:s4+s15], $0x80, s30, s15, $0xb8;
	[tilespmem:$0x1E800] =	vst v63  }
0x75: {  	_ =	swait.ge [sflag:s19], $0x4000  }
0x76: {  	[sflag:s19] =	ssyncset.done $0x0  }
0x77: {  	s31 =	simm.s32 $0x1480;
	[sflag:s19] =	ssyncadd.s32 $0xFFFFC000  }
0x78: {  	[spmem:s1] =	stream.indirect.scatter.add.f32 [tilespmem:s17], [sflag:$0x3], $0x80, s31, s15, $0xb8;
	[tilespmem:$0x1E800] =	vst v63  }
0x79: {  	_ =	swait.ge [sflag:s13], $0x4000  }
0x7a: {  	s25 =	simm.s32 $0x100;
	s26 =	simm.s32 $0x800;
	[sflag:s13] =	ssyncset.done $0x0  }
.LBB2_4:
0x7b: {  	s28 =	sadd.s32 $0x80, s25  }
0x7c: {  	[sflag:s13] =	ssyncadd.s32 $0xFFFFC000;
	s29 =	smov.u32 s26;
	s30 =	sadd.s32 $0x400, s26  }
0x7d: {  	[tilespmem:s17], [sflag:$0x2] =	stream.indirect.gather [hbm4b:s4+s15], $0x80, s28, s15, $0xb8;
	[tilespmem:$0x1E800] =	vst v63  }
0x7e: {  	p0 =	sne.s32 s26, $0x4800;
	_ =	swait.ge [sflag:s18], $0x4000  }
0x7f: {  	[sflag:s18] =	ssyncset.done $0x0  }
0x80: {  	s26 =	sadd.s32 $0x1400, s25;
	[sflag:s18] =	ssyncadd.s32 $0xFFFFC000  }
0x81: {  	[spmem:s1] =	stream.indirect.scatter.add.f32 [tilespmem:s16], [sflag:$0x3], $0x80, s26, s15, $0xb8;
	[tilespmem:$0x1E800] =	vst v63  }
0x82: {  	_ =	swait.ge [sflag:s13], $0x4000  }
0x83: {  	[sflag:s13] =	ssyncset.done $0x0  }
0x84: {  	s26 =	sadd.s32 $0x100, s25;
	[sflag:s13] =	ssyncadd.s32 $0xFFFFC000  }
0x85: {  	[tilespmem:s16], [sflag:$0x1] =	stream.indirect.gather [hbm4b:s4+s15], $0x80, s26, s15, $0xb8;
	[tilespmem:$0x1E800] =	vst v63  }
0x86: {  	_ =	swait.ge [sflag:s19], $0x4000  }
.Ltmp1:
0x87: {  	[sflag:s19] =	ssyncset.done $0x0;
	(pc) =	sbr.rel @p0 .LBB2_4-.Ltmp1, $4  }
0x88: {  	s25 =	sadd.s32 $0x1480, s25;
	[sflag:s19] =	ssyncadd.s32 $0xFFFFC000  }
0x89: {  	[spmem:s1] =	stream.indirect.scatter.add.f32 [tilespmem:s17], [sflag:$0x3], $0x80, s25, s15, $0xb8;
	[tilespmem:$0x1E800] =	vst v63  }
0x8a: {  	_ =	swait.ge [sflag:s13], $0x4000  }
0x8b: {  	s26 =	smov.u32 s30;
	s25 =	sshra.s32 s29, $0x2;
	[sflag:s13] =	ssyncset.done $0x0  }
0x8c: {  	s26 =	sadd.s32 $0x80, s25;
	[sflag:s13] =	ssyncadd.s32 $0xFFFFC000  }
0x8d: {  	[tilespmem:s17], [sflag:$0x2] =	stream.indirect.gather [hbm4b:s4+s15], $0x80, s26, s15, $0xb8;
	[tilespmem:$0x1E800] =	vst v63  }
0x8e: {  	_ =	swait.ge [sflag:s18], $0x4000  }
0x8f: {  	[sflag:s18] =	ssyncset.done $0x0  }
0x90: {  	s29 =	sadd.s32 $0x1400, s25;
	[sflag:s18] =	ssyncadd.s32 $0xFFFFC000  }
0x91: {  	[spmem:s1] =	stream.indirect.scatter.add.f32 [tilespmem:s16], [sflag:$0x3], $0x80, s29, s15, $0xb8;
	[tilespmem:$0x1E800] =	vst v63  }
0x92: {  	_ =	swait.ge [sflag:s13], $0x4000  }
0x93: {  	[sflag:s13] =	ssyncset.done $0x0  }
0x94: {  	s30 =	sadd.s32 $0x100, s25;
	[sflag:s13] =	ssyncadd.s32 $0xFFFFC000  }
0x95: {  	[tilespmem:s16], [sflag:$0x1] =	stream.indirect.gather [hbm4b:s4+s15], $0x80, s30, s15, $0xb8;
	[tilespmem:$0x1E800] =	vst v63  }
0x96: {  	_ =	swait.ge [sflag:s19], $0x4000  }
0x97: {  	[sflag:s19] =	ssyncset.done $0x0  }
0x98: {  	s31 =	sadd.s32 $0x1480, s25;
	[sflag:s19] =	ssyncadd.s32 $0xFFFFC000  }
0x99: {  	[spmem:s1] =	stream.indirect.scatter.add.f32 [tilespmem:s17], [sflag:$0x3], $0x80, s31, s15, $0xb8;
	[tilespmem:$0x1E800] =	vst v63  }
0x9a: {  	_ =	swait.ge [sflag:s13], $0x4000  }
0x9b: {  	[sflag:s13] =	ssyncset.done $0x0  }
0x9c: {  	[sflag:s13] =	ssyncadd.s32 $0xFFFFC000  }
0x9d: {  	[tilespmem:s17], [sflag:$0x2] =	stream.indirect.gather [hbm4b:s4+s15], $0x80, s20, s15, $0xb8;
	[tilespmem:$0x1E800] =	vst v63  }
0x9e: {  	_ =	swait.ge [sflag:s18], $0x4000  }
0x9f: {  	[sflag:s18] =	ssyncset.done $0x0  }
0xa0: {  	[sflag:s18] =	ssyncadd.s32 $0xFFFFC000  }
0xa1: {  	[spmem:s1] =	stream.indirect.scatter.add.f32 [tilespmem:s16], [sflag:$0x3], $0x80, s21, s15, $0xb8;
	[tilespmem:$0x1E800] =	vst v63  }
0xa2: {  	_ =	swait.ge [sflag:s13], $0x4000  }
0xa3: {  	[sflag:s13] =	ssyncset.done $0x0  }
0xa4: {  	[sflag:s13] =	ssyncadd.s32 $0xFFFFC000  }
0xa5: {  	_ =	swait.ge [sflag:s19], $0x4000  }
0xa6: {  	[sflag:s19] =	ssyncset.done $0x0  }
0xa7: {  	[sflag:s19] =	ssyncadd.s32 $0xFFFFC000  }
0xa8: {  	[spmem:s1] =	stream.indirect.scatter.add.f32 [tilespmem:s17], [sflag:$0x3], $0x80, s22, s15, $0xb8;
	[tilespmem:$0x1E800] =	vst v63  }
0xa9: {  	_ =	swait.ge [sflag:s13], $0x4000  }
0xaa: {  	s24 =	sadd.s32 $0x1, s24;
	[sflag:s13] =	ssyncset.done $0x0  }
0xab: {  	p0 =	sne.s32 s24, s7;
	[sflag:s13] =	ssyncadd.s32 $0xFFFFC000  }
.Ltmp2:
0xac: {  	[bflag:$0x0] =	sbarrier.arrive $0xFFFF;
	(pc) =	sbr.rel @p0 .LBB2_1-.Ltmp2, $4  }
0xad: {  	[hbm:s23], [sflag:s6] =	dma.local [spmem:s12], $0x2800  }
0xae: {  	_ =	swait.ge [sflag:s13], $0x2800  }
0xaf: {  	[sflag:s13] =	ssyncset.done $0x0  }
0xb0: {  	[sflag:s13] =	ssyncadd.s32 $0xFFFFD800  }
0xb1: {  	_ =	sfence.sel $0x180000  }
0xb2: {  	[bflag:$0x0] =	sbarrier.arrive $0xFFFF  }
0xb3: {  	p0 =	sne.s32 s3, $0x0;
	_ =	strace $0x9000004D  }
0xb4: {  	s0 =	sadd.s32 @!p0 $0x100000, s0;
	[bflag:$0x2] =	sbarrier.arrive $0xFFFF  }
0xb5: {  	[sflag:s0] =	ssyncadd.tile.s32 @!p0 $0x1;
	_ =	shalt  }
.Lfunc_end2:
_tile_overlayer_lowered:
.L_overlay_start_2:
0xb6: {  	(tag) =	ssettag $0x2  }
0xb7: {  	s0 =	rddreg [dreg:$0x0];
	s2 =	stileid.u32  }
0xb8: {  	s1 =	rddreg [dreg:$0x1];
	p0 =	sne.s32 s2, $0x0  }
0xb9: {  	s3 =	rddreg [dreg:$0x2];
	[bflag:$0x3] =	sbarrier.arrive $0xFFFF;
	s2 =	simm.s32 @!p0 $0x1C03  }
0xba: {  	[timem:s3], [sflag:s2] =	dma.local @!p0 [hbm:s0], s1  }
0xbb: {  	s0 =	simm.s32 @!p0 $0x3  }
0xbc: {  	_ =	swait.ge @!p0 [sflag:s0], s1  }
0xbd: {  	s1 =	ssub.s32 @!p0 $0x0, s1;
	[sflag:s0] =	ssyncset.done @!p0 $0x0  }
0xbe: {  	[sflag:s0] =	ssyncadd.s32 @!p0 s1  }
0xbf: {  	[bflag:$0x3] =	sbarrier.arrive $0xFFFF  }
0xc0: {  	_ =	shalt  }

// kernel: kernel.9.cloned.1.call-start
scs
__scs_entry_jumppad:
0x0: {  	(pc) =	sbr.rel $0x88, $3  }
0x1: {  	(tag) =	ssettag $0x0;
	lr =	simm.s32 $0x1  }
0x2: {  	[smem:$0x3F99] =	sst lr;
	_ =	strace $0xD0000000  }
0x3: {  	_ = 	snop  }
0x4: {  	_ = 	snop  }
0x5: {  	_ = 	snop  }
0x6: {  	_ = 	snop  }
0x7: {  	_ = 	snop  }
__scs_overlays_trampoline_lowered:
0x8: {  	[smem:$0x3FA8] =	sst s0  }
0x9: {  	[smem:$0x3FA9] =	sst s1  }
0xa: {  	[smem:$0x3FAA] =	sst s2  }
0xb: {  	[smem:$0x3FAB] =	sst s3  }
0xc: {  	[smem:$0x3FAC] =	sst s4  }
0xd: {  	[smem:$0x3FAD] =	sst s5  }
0xe: {  	[smem:$0x3FAE] =	sst s6  }
0xf: {  	[smem:$0x3FAF] =	sst s7  }
0x10: {  	[smem:$0x3FB0] =	sst s8  }
0x11: {  	[smem:$0x3FB1] =	sst s9;
	s0 =	simm.s32 @!p0 $0x0  }
0x12: {  	s1 =	sld [smem:$0x3F97];
	s0 =	simm.s32 @p0 $0x1  }
0x13: {  	[smem:$0x3FB2] =	sst s0;
	s0 =	simm.s32 @!p1 $0x0  }
0x14: {  	s2 =	sld [smem:$0x3F96];
	s0 =	simm.s32 @p1 $0x1  }
0x15: {  	[smem:$0x3FB3] =	sst s0;
	s0 =	simm.s32 @!p2 $0x0  }
0x16: {  	s3 =	sld [smem:$0x3FDB];
	s0 =	simm.s32 @p2 $0x1  }
0x17: {  	s4 =	simm.s32 $0x1BF5;
	[smem:$0x3FB5] =	sst s0  }
0x18: {  	s0 =	sld [smem:$0x3F98];
	_ =	swait.ge [sflag:s4], $0x0  }
0x19: {  	s7 =	sld [smem:$0x3F99]  }
0x1a: {  	s8 =	sadd.s32 $0xFFFFE003, lr  }
0x1b: {  	s9 =	sadd.s32 $0xFFFFFEF7, lr;
	s5 =	simm.s32 $0xFFFFFFFF;
	p2 =	slt.u32 s8, $0xFFFFF086  }
0x1c: {  	p1 =	slt.u32 s9, $0xF7A;
	s5 =	simm.s32 @!p2 $0x0  }
0x1d: {  	s5 =	simm.s32 @p1 $0x1;
	p0 =	seq.s32 s7, s2  }
0x1e: {  	s7 =	smul.u32 @!p0 $0xF7A, s2;
	p2 =	seq.s32 @!p0 s5, $0x0  }
0x1f: {  	s9 =	smul.u32 $0xF7A, s1;
	s8 =	simm.s32 @!p0 $0x1BF5;
	p2 =	por !p2, p0  }
0x20: {  	[sflag:s8] =	ssyncset.s32 @!p0 $0xFFFFF086;
	s6 =	sadd.s32 @!p0 s3, s7;
	s7 =	simm.s32 @!p0 $0x108  }
0x21: {  	s3 =	sadd.s32 s3, s9;
	s6 =	sadd.s32 @!p0 $0x88, s6;
	s7 =	simm.s32 @p2 $0x1082  }
0x22: {  	[simem:s7], [sflag:s8] =	dma.local @!p0 [hbm:s6], $0xF7A  }
0x23: {  	s9 =	sor.u32 $0xD0000000, s2;
	s6 =	simm.s32 $0x108;
	_ =	swait.ge @!p0 [sflag:s8], $0x0  }
0x24: {  	s3 =	sadd.s32 $0x88, s3;
	s6 =	simm.s32 @!p1 $0x1082;
	[sflag:s4] =	ssyncset.s32 $0xFFFFF086  }
0x25: {  	[simem:s6], [sflag:s4] =	dma.local [hbm:s3], $0xF7A  }
0x26: {  	[smem:$0x3F99] =	sst s1;
	(tag) =	ssettag s2;
	_ =	strace s9  }
0x27: {  	s1 =	sld [smem:$0x3FA9]  }
0x28: {  	s2 =	sld [smem:$0x3FAA]  }
0x29: {  	s4 =	sld [smem:$0x3FAC]  }
0x2a: {  	p0 =	seq.s32 s5, $0x0;
	s5 =	sld [smem:$0x3FAD]  }
0x2b: {  	s6 =	sld [smem:$0x3FAE]  }
0x2c: {  	s7 =	sld [smem:$0x3FAF]  }
0x2d: {  	s3 =	simm.s32 $0x108;
	s8 =	sld [smem:$0x3FB0]  }
0x2e: {  	s3 =	simm.s32 @!p0 $0x1082;
	s9 =	sld [smem:$0x3FB1]  }
0x2f: {  	lr =	sadd.s32 s0, s3;
	s0 =	sld [smem:$0x3FA8]  }
0x30: {  	s3 =	sld [smem:$0x3FAB]  }
0x31: {  	[smem:$0x3FB4] =	sst s10  }
0x32: {  	s10 =	sld [smem:$0x3FB2];
	_ =	sdelay $0x3  }
0x33: {  	p0 =	seq.s32 s10, $0x1;
	s10 =	sld [smem:$0x3FB4];
	_ =	sdelay $0x3  }
0x34: {  	[smem:$0x3FB4] =	sst s10  }
0x35: {  	s10 =	sld [smem:$0x3FB3];
	_ =	sdelay $0x3  }
0x36: {  	p1 =	seq.s32 s10, $0x1;
	s10 =	sld [smem:$0x3FB4];
	_ =	sdelay $0x3  }
0x37: {  	[smem:$0x3FB4] =	sst s10  }
0x38: {  	s10 =	sld [smem:$0x3FB5]  }
0x39: {  	_ = 	snop;
	(pc) =	sbr.ind lr, $3  }
0x3a: {  	_ = 	snop  }
0x3b: {  	_ = 	snop  }
0x3c: {  	p2 =	seq.s32 s10, $0x1;
	s10 =	sld [smem:$0x3FB4]  }
0x3d: {  	_ =	shalt  }
0x3e: {  	_ =	shalt  }
0x3f: {  	_ =	shalt  }
0x40: {  	_ =	shalt  }
0x41: {  	_ =	shalt  }
0x42: {  	_ =	shalt  }
0x43: {  	_ =	shalt  }
0x44: {  	_ =	shalt  }
0x45: {  	_ =	shalt  }
0x46: {  	_ =	shalt  }
0x47: {  	_ =	shalt  }
0x48: {  	_ =	shalt  }
0x49: {  	_ =	shalt  }
0x4a: {  	_ =	shalt  }
0x4b: {  	_ =	shalt  }
0x4c: {  	_ =	shalt  }
0x4d: {  	_ =	shalt  }
0x4e: {  	_ =	shalt  }
0x4f: {  	_ =	shalt  }
0x50: {  	_ =	shalt  }
0x51: {  	_ =	shalt  }
0x52: {  	_ =	shalt  }
0x53: {  	_ =	shalt  }
0x54: {  	_ =	shalt  }
0x55: {  	_ =	shalt  }
0x56: {  	_ =	shalt  }
0x57: {  	_ =	shalt  }
0x58: {  	_ =	shalt  }
0x59: {  	_ =	shalt  }
0x5a: {  	_ =	shalt  }
0x5b: {  	_ =	shalt  }
0x5c: {  	_ =	shalt  }
0x5d: {  	_ =	shalt  }
0x5e: {  	_ =	shalt  }
0x5f: {  	_ =	shalt  }
0x60: {  	_ =	shalt  }
0x61: {  	_ =	shalt  }
0x62: {  	_ =	shalt  }
0x63: {  	_ =	shalt  }
0x64: {  	_ =	shalt  }
0x65: {  	_ =	shalt  }
0x66: {  	_ =	shalt  }
0x67: {  	_ =	shalt  }
0x68: {  	_ =	shalt  }
0x69: {  	_ =	shalt  }
0x6a: {  	_ =	shalt  }
0x6b: {  	_ =	shalt  }
0x6c: {  	_ =	shalt  }
0x6d: {  	_ =	shalt  }
0x6e: {  	_ =	shalt  }
0x6f: {  	_ =	shalt  }
0x70: {  	_ =	shalt  }
0x71: {  	_ =	shalt  }
0x72: {  	_ =	shalt  }
0x73: {  	_ =	shalt  }
0x74: {  	_ =	shalt  }
0x75: {  	_ =	shalt  }
0x76: {  	_ =	shalt  }
0x77: {  	_ =	shalt  }
0x78: {  	_ =	shalt  }
0x79: {  	_ =	shalt  }
0x7a: {  	_ =	shalt  }
0x7b: {  	_ =	shalt  }
0x7c: {  	_ =	shalt  }
0x7d: {  	_ =	shalt  }
0x7e: {  	_ =	shalt  }
0x7f: {  	_ =	shalt  }
0x80: {  	_ =	shalt  }
0x81: {  	_ =	shalt  }
0x82: {  	_ =	shalt  }
0x83: {  	_ =	shalt  }
0x84: {  	_ =	shalt  }
0x85: {  	_ =	shalt  }
0x86: {  	_ =	shalt  }
0x87: {  	_ =	shalt  }
.Lfunc_end0:
.L_simem_size_0:
called_computation_lowered:
.L_overlay_start_0:
0x88: {  	s2 =	sld [smem:$0x3FD9]  }
0x89: {  	s3 =	sld [smem:$0x3FFE];
	_ =	sdelay $0x1  }
0x8a: {  	s1 =	srdreg.scid  }
0x8b: {  	s0 =	sand.u32 $0x1, s1  }
0x8c: {  	s16 =	sshll.u32 s0, $0xA;
	s2 =	sadd.s32 s3, s2  }
0x8d: {  	s2 =	sadd.s32 s2, s16  }
0x8e: {  	[smem:$0x3FC0] =	sst s2  }
0x8f: {  	_ = 	snop  }
0x90: {  	(tm) =	ssettm $0x1  }
0x91: {  	s17 =	sld [smem:$0x3FFB];
	_ =	sdelay $0x3  }
0x92: {  	_ =	strace s17  }
0x93: {  	s2 =	sld [smem:$0x3FFC];
	_ =	sdelay $0x3  }
0x94: {  	_ =	strace s2  }
0x95: {  	s2 =	sld [smem:$0x3FFD];
	_ =	sdelay $0x3  }
0x96: {  	_ =	strace s2  }
0x97: {  	_ =	strace $0x8FFFFFFF  }
0x98: {  	s18 =	sld [smem:$0x3FDB];
	_ =	sdelay $0x1  }
0x99: {  	s19 =	simm.s32 $_scs_section_size  }
0x9a: {  	s4 =	simm.s32 $_size__tile_overlayer_lowered;
	s5 =	simm.s32 $_tile_overlayer_lowered  }
0x9b: {  	s22 =	simm.s32 $0x1BFF;
	s21 =	sshll.u32 s5, $0x1;
	s2 =	sadd.s32 s19, s18  }
0x9c: {  	s6 =	simm.s32 $0x0;
	s20 =	sshll.u32 s4, $0x1;
	s4 =	sadd.s32 s21, s2  }
0x9d: {  	[timem:s6], [sflag:s22] =	dma.local [hbm:s4], s20  }
0x9e: {  	_ =	swait.ge [sflag:s22], s20  }
0x9f: {  	s3 =	ssub.s32 $0x0, s20;
	[sflag:s22] =	ssyncset.done $0x0  }
0xa0: {  	[sflag:s22] =	ssyncadd.s32 s3;
	_ =	sdelay $0x1  }
0xa1: {  	s23 =	simm.s32 $0x1B8B  }
0xa2: {  	_ =	swait.ge [sflag:s23], $0x1  }
0xa3: {  	[sflag:s23] =	ssyncset.done $0x0  }
0xa4: {  	s25 =	simm.s32 $0x1B8E;
	s24 =	sld [smem:$0x3FFE];
	[sflag:s23] =	ssyncadd.s32 $0xFFFFFFFF  }
0xa5: {  	s26 =	simm.s32 $execute0_lowered;
	[smem:$0x3FD2] =	sst s25  }
0xa6: {  	s4 =	sshll.u32 s26, $0x1;
	_ =	strace $0x80000046;
	[dreg:$0x1] =	wrdreg $0xFFFFFFFF  }
0xa7: {  	s28 =	simm.s32 $_size_execute0_lowered;
	s2 =	sadd.s32 s2, s4;
	[dreg:$0x0] =	wrdreg $0x0  }
0xa8: {  	s4 =	sshll.u32 s28, $0x1;
	[dreg:$0x2] =	wrdreg s2  }
0xa9: {  	[dreg:$0x3] =	wrdreg s4  }
0xaa: {  	[dreg:$0x4] =	wrdreg $0xC0  }
0xab: {  	_ =	task [dreg:s6], $0x5FFFF  }
0xac: {  	[dreg:$0x1] =	wrdreg $0xFFFFFFFF  }
0xad: {  	[dreg:$0x0] =	wrdreg $0x60  }
0xae: {  	[dreg:$0x2] =	wrdreg s24  }
0xaf: {  	[dreg:$0x3] =	wrdreg $0x41000  }
0xb0: {  	[dreg:$0x4] =	wrdreg $0x9  }
0xb1: {  	_ =	task.clear_ibuf [dreg:s6], $0x5FFFF;
	_ =	strace $0x90000046  }
0xb2: {  	s29 =	simm.s32 $0x9;
	_ =	strace $0x80000048  }
0xb3: {  	_ =	swait.ge [sflag:s29], $0x1  }
0xb4: {  	[sflag:s29] =	ssyncadd.s32 $0xFFFFFFFF  }
0xb5: {  	_ =	strace $0x90000048  }
0xb6: {  	_ =	sfence  }
0xb7: {  	s30 =	sld [smem:$0x0];
	_ =	sdelay $0x2  }
0xb8: {  	s31 =	sshll.u32 s1, $0xD;
	s1 =	sshrl.u32 s1, $0x2  }
0xb9: {  	s3 =	sand.u32 $0x4000, s31;
	s1 =	sadd.s32 s1, s30  }
0xba: {  	s0 =	sor.u32 s3, s0;
	s1 =	sshll.u32 s1, $0x11  }
0xbb: {  	s0 =	sor.u32 s1, s0  }
0xbc: {  	s0 =	sadd.s32 $0x8F2B, s0  }
0xbd: {  	[sflag:s0] =	ssyncadd.remote.s32 $0x1  }
0xbe: {  	_ =	sfence.sel $0xFFFF  }
0xbf: {  	[dreg:$0x0] =	wrdreg $0xFFFFFFFF;
	(pc) =	sbr.abs _section_cstart, $3  }
0xc0: {  	[dreg:$0x1] =	wrdreg $0xFFFFFFFF  }
0xc1: {  	_ =	task.clear_ibuf [dreg:s6], $0x2FFFF;
	_ =	strace $0x9FFFFFFF  }
0xc2: {  	(tm) =	ssettm $0x7FFFFFFF  }
0xc3: {  	_ =	shalt  }
tec
execute0_lowered:
.L_overlay_start_1:
0x0: {  	(tag) =	ssettag $0x1  }
0x1: {  	s0 =	srdreg.scid;
	s4 =	rddreg [dreg:$0x0]  }
0x2: {  	s2 =	rddreg [dreg:$0x1];
	s1 =	stileid.u32  }
0x3: {  	s3 =	simm.s32 $0x0;
	s10 =	simm.s32 $0x80;
	s11 =	simm.s32 $0x400  }
0x4: {  	s13 =	simm.s32 $0x3C00;
	s16 =	simm.s32 $0x3E80;
	s17 =	simm.s32 $0x0  }
0x5: {  	s5 =	sand.u32 $0x1, s0;
	s0 =	rddreg [dreg:$0x2];
	s12 =	smul.u32 $0x5000, s1  }
0x6: {  	s8 =	sshrl.u32 s1, $0x3;
	[smem:$0x7FF] =	sst s3;
	s15 =	smul.u32 $0xA0, s1  }
0x7: {  	s31 =	sshll.u32 s1, $0x7;
	s6 =	sshll.u32 s5, $0x4;
	s8 =	smul.u32 $0x50000, s8  }
0x8: {  	_ =	strace $0x80000047;
	s30 =	ssub.s32 $0x2, s5;
	s5 =	sand.u32 $0x380, s31  }
0x9: {  	s7 =	sor.u32 s1, s6;
	s6 =	sadd.s32 s6, s4;
	s9 =	sshrl.u32 s30, $0x1  }
0xa: {  	s12 =	sshrl.u32 s12, $0x2;
	s7 =	smul.u32 $0x500, s7;
	s8 =	sshrl.u32 s8, $0x2  }
0xb: {  	s9 =	ssub.s32 s30, s9;
	s14 =	sadd.s32 $0xCA00, s6;
	s8 =	sadd.s32 s8, s2  }
0xc: {  	s14 =	sadd.s32 s15, s14;
	s15 =	simm.s32 $0x100;
	s7 =	sadd.s32 s7, s4  }
0xd: {  	s4 =	sadd.s32 s5, s8;
	s5 =	smax.u32 s9, $0x1;
	s8 =	simm.s32 $0x1  }
0xe: {  	v0 =	vimm.f32 $0.0e+00;
	v1 =	vimm.f32 $1.000000000e+00;
	s9 =	simm.s32 $0x1400;
	s6 =	sadd.s32 $0x2A00, s7;
	s7 =	sadd.s32 $0x2C80, s7  }
.LBB2_1:
0xf: {  	s18 =	simm.s32 $0x40;
	s19 =	simm.s32 $0x0  }
.LBB2_2:
0x10: {  	p0 =	sne.s32 s18, $0x9FC0;
	[tilespmem:s19+$0x1400] =	vst v0;
	s19 =	smov.u32 s18;
	s18 =	sadd.s32 $0x40, s18  }
.Ltmp0:
0x11: {  	(pc) =	sbr.rel @p0 .LBB2_2-.Ltmp0, $2  }
0x12: {  	_ =	sdelay $0x2  }
0x13: {  	s19 =	sshra.s32 s19, $0x2  }
0x14: {  	[tilespmem:s19+$0x1400] =	vst v0  }
0x15: {  	[tilespmem:s3], [sflag:$0x1] =	stream.linear.gather [hbm4b:s6+s3], $0x1400, $0x38;
	[tilespmem:$0x6900] =	vst v63  }
0x16: {  	_ =	swait.ge [sflag:s8], $0x1400  }
0x17: {  	[sflag:s8] =	ssyncset.done $0x0  }
0x18: {  	s18 =	simm.s32 $0x1C0;
	[sflag:s8] =	ssyncadd.s32 $0xFFFFEC00  }
.LBB2_4:
0x19: {  	s19 =	sshra.s32 s18, $0x2  }
0x1a: {  	v2 =	vld [tilespmem:s19+$0xFFFFFF90];
	_ =	sdelay $0x7  }
0x1b: {  	[tilespmem:v2+s9+$0x0] =	vst.idx.add.f32.msk $0xffff, v1  }
0x1c: {  	v2 =	vld [tilespmem:s19+$0xFFFFFFA0];
	_ =	sdelay $0x7  }
0x1d: {  	[tilespmem:v2+s9+$0x0] =	vst.idx.add.f32.msk $0xffff, v1  }
0x1e: {  	v2 =	vld [tilespmem:s19+$0xFFFFFFB0];
	_ =	sdelay $0x7  }
0x1f: {  	[tilespmem:v2+s9+$0x0] =	vst.idx.add.f32.msk $0xffff, v1  }
0x20: {  	v2 =	vld [tilespmem:s19+$0xFFFFFFC0];
	_ =	sdelay $0x7  }
0x21: {  	[tilespmem:v2+s9+$0x0] =	vst.idx.add.f32.msk $0xffff, v1  }
0x22: {  	v2 =	vld [tilespmem:s19+$0xFFFFFFD0];
	_ =	sdelay $0x7  }
0x23: {  	[tilespmem:v2+s9+$0x0] =	vst.idx.add.f32.msk $0xffff, v1  }
0x24: {  	v2 =	vld [tilespmem:s19+$0xFFFFFFE0];
	_ =	sdelay $0x7  }
0x25: {  	[tilespmem:v2+s9+$0x0] =	vst.idx.add.f32.msk $0xffff, v1  }
0x26: {  	v2 =	vld [tilespmem:s19+$0xFFFFFFF0];
	_ =	sdelay $0x7  }
0x27: {  	[tilespmem:v2+s9+$0x0] =	vst.idx.add.f32.msk $0xffff, v1  }
0x28: {  	v2 =	vld [tilespmem:s19+$0x0];
	_ =	sdelay $0x2  }
0x29: {  	p0 =	sne.s32 s18, $0x4FC0  }
.Ltmp1:
0x2a: {  	_ = 	snop;
	(pc) =	sbr.rel @p0 .LBB2_4-.Ltmp1, $2  }
0x2b: {  	_ =	sdelay $0x2  }
0x2c: {  	s18 =	sadd.s32 $0x200, s18;
	[tilespmem:v2+s9+$0x0] =	vst.idx.add.f32.msk $0xffff, v1  }
0x2d: {  	s18 =	simm.s32 $0x0  }
0x2e: {  	[tilespmem:s18], [sflag:$0x1] =	stream.linear.gather [hbm4b:s7+s18], $0x1400, $0x38;
	[tilespmem:$0x6900] =	vst v63  }
0x2f: {  	_ =	swait.ge [sflag:s8], $0x1400  }
0x30: {  	[sflag:s8] =	ssyncset.done $0x0  }
0x31: {  	[sflag:s8] =	ssyncadd.s32 $0xFFFFEC00  }
.LBB2_6:
0x32: {  	s19 =	sshra.s32 s18, $0x2  }
0x33: {  	v2 =	vld [tilespmem:s19+$0x0];
	_ =	sdelay $0x7  }
0x34: {  	[tilespmem:v2+s9+$0x0] =	vst.idx.add.f32.msk $0xffff, v1  }
0x35: {  	v2 =	vld [tilespmem:s19+$0x10];
	_ =	sdelay $0x7  }
0x36: {  	[tilespmem:v2+s9+$0x0] =	vst.idx.add.f32.msk $0xffff, v1  }
0x37: {  	v2 =	vld [tilespmem:s19+$0x20];
	_ =	sdelay $0x7  }
0x38: {  	[tilespmem:v2+s9+$0x0] =	vst.idx.add.f32.msk $0xffff, v1  }
0x39: {  	v2 =	vld [tilespmem:s19+$0x30];
	_ =	sdelay $0x7  }
0x3a: {  	[tilespmem:v2+s9+$0x0] =	vst.idx.add.f32.msk $0xffff, v1  }
0x3b: {  	v2 =	vld [tilespmem:s19+$0x40];
	_ =	sdelay $0x7  }
0x3c: {  	[tilespmem:v2+s9+$0x0] =	vst.idx.add.f32.msk $0xffff, v1  }
0x3d: {  	v2 =	vld [tilespmem:s19+$0x50];
	_ =	sdelay $0x7  }
0x3e: {  	[tilespmem:v2+s9+$0x0] =	vst.idx.add.f32.msk $0xffff, v1  }
0x3f: {  	v2 =	vld [tilespmem:s19+$0x60];
	_ =	sdelay $0x7  }
0x40: {  	[tilespmem:v2+s9+$0x0] =	vst.idx.add.f32.msk $0xffff, v1  }
0x41: {  	v2 =	vld [tilespmem:s19+$0x70];
	_ =	sdelay $0x2  }
0x42: {  	p0 =	sne.s32 s18, $0x4E00  }
.Ltmp2:
0x43: {  	_ = 	snop;
	(pc) =	sbr.rel @p0 .LBB2_6-.Ltmp2, $2  }
0x44: {  	_ =	sdelay $0x2  }
0x45: {  	s18 =	sadd.s32 $0x200, s18;
	[tilespmem:v2+s9+$0x0] =	vst.idx.add.f32.msk $0xffff, v1  }
0x46: {  	[spmem:s4] =	stream.strided.scatter [tilespmem:s9], [sflag:$0x1], $0x2800, s11, s10, $0x38;
	[tilespmem:$0x6900] =	vst v63  }
0x47: {  	_ =	swait.ge [sflag:s8], $0x2800  }
0x48: {  	[sflag:s8] =	ssyncset.done $0x0  }
0x49: {  	[sflag:s8] =	ssyncadd.s32 $0xFFFFD800  }
0x4a: {  	[bflag:$0x0] =	sbarrier.arrive $0xFFFF  }
0x4b: {  	[tilespmem:$0x3E80] =	vst v0  }
0x4c: {  	[tilespmem:$0x3E90] =	vst v0  }
0x4d: {  	[tilespmem:$0x3EA0] =	vst v0  }
0x4e: {  	[tilespmem:$0x3EB0] =	vst v0  }
0x4f: {  	[tilespmem:$0x3EC0] =	vst v0  }
0x50: {  	[tilespmem:$0x3ED0] =	vst v0  }
0x51: {  	[tilespmem:$0x3EE0] =	vst v0  }
0x52: {  	[tilespmem:$0x3EF0] =	vst v0  }
0x53: {  	[tilespmem:$0x3F00] =	vst v0  }
0x54: {  	[tilespmem:$0x3F10] =	vst v0  }
0x55: {  	[tilespmem:$0x3F20] =	vst v0  }
0x56: {  	[tilespmem:$0x3F30] =	vst v0  }
0x57: {  	[tilespmem:$0x3F40] =	vst v0  }
0x58: {  	[tilespmem:$0x3F50] =	vst v0  }
0x59: {  	[tilespmem:$0x3F60] =	vst v0  }
0x5a: {  	[tilespmem:$0x3F70] =	vst v0  }
0x5b: {  	[tilespmem:$0x3F80] =	vst v0  }
0x5c: {  	[tilespmem:$0x3F90] =	vst v0  }
0x5d: {  	[tilespmem:$0x3FA0] =	vst v0  }
0x5e: {  	[tilespmem:$0x3FB0] =	vst v0  }
0x5f: {  	[tilespmem:$0x3FC0] =	vst v0  }
0x60: {  	[tilespmem:$0x3FD0] =	vst v0  }
0x61: {  	[tilespmem:$0x3FE0] =	vst v0  }
0x62: {  	[tilespmem:$0x3FF0] =	vst v0  }
0x63: {  	[tilespmem:$0x4000] =	vst v0  }
0x64: {  	[tilespmem:$0x4010] =	vst v0  }
0x65: {  	[tilespmem:$0x4020] =	vst v0  }
0x66: {  	[tilespmem:$0x4030] =	vst v0  }
0x67: {  	[tilespmem:$0x4040] =	vst v0  }
0x68: {  	[tilespmem:$0x4050] =	vst v0  }
0x69: {  	[tilespmem:$0x4060] =	vst v0  }
0x6a: {  	[tilespmem:$0x4070] =	vst v0  }
0x6b: {  	[tilespmem:$0x4080] =	vst v0  }
0x6c: {  	[tilespmem:$0x4090] =	vst v0  }
0x6d: {  	[tilespmem:$0x40A0] =	vst v0  }
0x6e: {  	[tilespmem:$0x40B0] =	vst v0  }
0x6f: {  	[tilespmem:$0x40C0] =	vst v0  }
0x70: {  	[tilespmem:$0x40D0] =	vst v0  }
0x71: {  	[tilespmem:$0x40E0] =	vst v0  }
0x72: {  	s18 =	simm.s32 $0x0;
	[tilespmem:$0x40F0] =	vst v0  }
.LBB2_8:
0x73: {  	s19 =	sshrl.u32 s18, $0x3  }
0x74: {  	s19 =	smul.u32 $0x50000, s19;
	_ =	sdelay $0x1  }
0x75: {  	s20 =	sshll.u32 s18, $0x7;
	s19 =	sshra.s32 s19, $0x2  }
0x76: {  	s20 =	sand.u32 $0x380, s20;
	s19 =	sadd.s32 s19, s2  }
0x77: {  	s19 =	sadd.s32 s20, s19  }
0x78: {  	s19 =	sadd.s32 s12, s19  }
0x79: {  	[tilespmem:s13], [sflag:$0x1] =	stream.strided.gather [spmem:s19], $0x280, s11, s10, $0x38;
	[tilespmem:$0x6900] =	vst v63  }
0x7a: {  	_ =	swait.ge [sflag:s8], $0x280  }
0x7b: {  	[sflag:s8] =	ssyncset.done $0x0  }
0x7c: {  	s19 =	simm.s32 $0x0;
	[sflag:s8] =	ssyncadd.s32 $0xFFFFFD80  }
0x7d: {  	s20 =	simm.s32 $0x40;
	v2 =	vld [tilespmem:s19+$0x3C00]  }
.LBB2_9:
0x7e: {  	p0 =	sne.s32 s20, $0x9C0;
	v3 =	vld [tilespmem:s19+$0x3E80];
	_ =	sdelay $0x2  }
.Ltmp3:
0x7f: {  	(pc) =	sbr.rel @p0 .LBB2_9-.Ltmp3, $4  }
0x80: {  	_ = 	snop  }
0x81: {  	v3 =	vadd.f32 v2, v3  }
0x82: {  	s21 =	sshra.s32 s20, $0x2  }
0x83: {  	s20 =	sadd.s32 $0x40, s20;
	v2 =	vld [tilespmem:s21+$0x3C00];
	[tilespmem:s19+$0x3E80] =	vst v3;
	s19 =	smov.u32 s21  }
0x84: {  	v3 =	vld [tilespmem:s19+$0x3E80]  }
0x85: {  	s18 =	sadd.s32 $0x1, s18  }
0x86: {  	p0 =	sne.s32 s18, $0x10  }
.Ltmp4:
0x87: {  	_ = 	snop;
	(pc) =	sbr.rel @p0 .LBB2_8-.Ltmp4, $3  }
0x88: {  	_ = 	snop  }
0x89: {  	v2 =	vadd.f32 v2, v3;
	_ =	sdelay $0x1  }
0x8a: {  	[tilespmem:s19+$0x3E80] =	vst v2  }
0x8b: {  	s17 =	sadd.s32 $0x1, s17  }
0x8c: {  	p0 =	sne.s32 s17, s5  }
.Ltmp5:
0x8d: {  	_ = 	snop;
	(pc) =	sbr.rel @p0 .LBB2_1-.Ltmp5, $4  }
0x8e: {  	[hbm4b:s14+s10] =	stream.strided.scatter [tilespmem:s16], [sflag:$0x1], $0x280, s15, s10, $0x38;
	[tilespmem:$0x6900] =	vst v63  }
0x8f: {  	_ =	swait.ge [sflag:s8], $0x280  }
0x90: {  	[sflag:s8] =	ssyncset.done $0x0  }
0x91: {  	[sflag:s8] =	ssyncadd.s32 $0xFFFFFD80  }
0x92: {  	_ =	sfence.sel $0x180000  }
0x93: {  	[bflag:$0x0] =	sbarrier.arrive $0xFFFF  }
0x94: {  	p0 =	sne.s32 s1, $0x0;
	_ =	strace $0x90000047  }
0x95: {  	s0 =	sadd.s32 @!p0 $0x100000, s0;
	[bflag:$0x2] =	sbarrier.arrive $0xFFFF  }
0x96: {  	[sflag:s0] =	ssyncadd.tile.s32 @!p0 $0x1;
	_ =	shalt  }
.Lfunc_end2:
_tile_overlayer_lowered:
.L_overlay_start_2:
0x97: {  	(tag) =	ssettag $0x2  }
0x98: {  	s0 =	rddreg [dreg:$0x0];
	s2 =	stileid.u32  }
0x99: {  	s1 =	rddreg [dreg:$0x1];
	p0 =	sne.s32 s2, $0x0  }
0x9a: {  	s3 =	rddreg [dreg:$0x2];
	[bflag:$0x3] =	sbarrier.arrive $0xFFFF;
	s2 =	simm.s32 @!p0 $0x1C01  }
0x9b: {  	[timem:s3], [sflag:s2] =	dma.local @!p0 [hbm:s0], s1  }
0x9c: {  	s0 =	simm.s32 @!p0 $0x1  }
0x9d: {  	_ =	swait.ge @!p0 [sflag:s0], s1  }
0x9e: {  	s1 =	ssub.s32 @!p0 $0x0, s1;
	[sflag:s0] =	ssyncset.done @!p0 $0x0  }
0x9f: {  	[sflag:s0] =	ssyncadd.s32 @!p0 s1  }
0xa0: {  	[bflag:$0x3] =	sbarrier.arrive $0xFFFF  }
0xa1: {  	_ =	shalt  }

</sc_bundles>
